<compile_context>
chip_gen: v7x
topology: tpu7x:2x2x1
jax: 0.10.2.dev20260603
libtpu: 0.0.44.dev20260713+nightly
codegen_flags: <defaults>
</compile_context>

<pallas_src>
import functools

import jax
import jax.numpy as jnp
from jax import lax
from jax.experimental import pallas as pl
from jax.experimental.pallas import tpu as pltpu
from jax.experimental.pallas import tpu_sc as plsc

N = 10000
NPAD = 10240
RPT = NPAD // 16
E = 320000
B = 128
TILES = 32
NB = 80
EPAD = TILES * NB * B
PAD = N
F32 = jnp.float32

R = 512
GRID = NPAD // R


def _mesh():
    return plsc.VectorSubcoreMesh(core_axis_name="c", subcore_axis_name="s")


def _deg_call(dsts):

    @functools.partial(
        pl.kernel,
        mesh=_mesh(),
        out_type=jax.ShapeDtypeStruct((2 * NPAD,), F32),
        scratch_types=[
            pltpu.VMEM((NB, B), jnp.int32),
            pltpu.VMEM((B,), F32),
            pltpu.VMEM((RPT,), F32),
            pltpu.VMEM_SHARED((NPAD,), F32),
        ],
    )
    def deg_kernel(dst_hbm, out_hbm, idx_v, ones_v, zrow_v, deg_sh):
        c = lax.axis_index("c")
        s = lax.axis_index("s")
        for i in range(B // 16):
            ones_v[pl.ds(16 * i, 16)] = jnp.full((16,), 1.0, F32)
        for i in range(RPT // 16):
            zrow_v[pl.ds(16 * i, 16)] = jnp.zeros((16,), F32)
        pltpu.sync_copy(zrow_v, deg_sh.at[pl.ds(s * RPT, RPT)])
        t = c * 16 + s
        pltpu.sync_copy(dst_hbm.at[t], idx_v)
        plsc.subcore_barrier()

        def body(j, carry):
            pltpu.sync_copy(ones_v, deg_sh.at[idx_v.at[j]], add=True)
            return carry

        lax.fori_loop(0, NB, body, 0)
        plsc.subcore_barrier()
        pltpu.sync_copy(deg_sh.at[pl.ds(s * RPT, RPT)],
                        out_hbm.at[pl.ds(c * NPAD + s * RPT, RPT)])

    return deg_kernel(dsts)


def _scatter_call(g, srcs, dsts, zeros, feat):

    @functools.partial(
        pl.kernel,
        mesh=_mesh(),
        out_type=jax.ShapeDtypeStruct((2 * NPAD, feat), F32),
        scratch_types=[
            pltpu.VMEM((NB, B), jnp.int32),
            pltpu.VMEM((NB, B), jnp.int32),
            pltpu.VMEM((B, feat), F32),
            pltpu.VMEM_SHARED((NPAD, feat), F32),
            pltpu.SemaphoreType.DMA,
        ],
    )
    def sc_kernel(g_hbm, srcs_hbm, dsts_hbm, z_hbm, out_hbm,
                  isrc_v, idst_v, rows_v, acc_sh, sem):
        c = lax.axis_index("c")
        s = lax.axis_index("s")
        pltpu.sync_copy(z_hbm.at[pl.ds(s * RPT, RPT)],
                        acc_sh.at[pl.ds(s * RPT, RPT)])
        t = c * 16 + s
        pltpu.sync_copy(srcs_hbm.at[t], isrc_v)
        pltpu.sync_copy(dsts_hbm.at[t], idst_v)
        plsc.subcore_barrier()

        def body(j, carry):
            pltpu.async_copy(g_hbm.at[isrc_v.at[j]], rows_v, sem).wait()
            pltpu.sync_copy(rows_v, acc_sh.at[idst_v.at[j]], add=True)
            return carry

        lax.fori_loop(0, NB, body, 0)
        plsc.subcore_barrier()
        pltpu.sync_copy(acc_sh.at[pl.ds(s * RPT, RPT)],
                        out_hbm.at[pl.ds(c * NPAD + s * RPT, RPT)])

    return sc_kernel(g, srcs, dsts, zeros)


def _tc1(xp, W1, d0, d1):

    def body(x_ref, w_ref, d0_ref, d1_ref, g_ref, dv_ref):
        deg = d0_ref[...] + d1_ref[...] + 1.0
        dinv = lax.rsqrt(deg)
        h = jnp.dot(x_ref[...], w_ref[...],
                    preferred_element_type=F32,
                    precision=lax.Precision.HIGHEST)
        g_ref[...] = h * dinv
        dv_ref[...] = jnp.broadcast_to(dinv, (R, 128))

    return pl.pallas_call(
        body,
        grid=(GRID,),
        in_specs=[
            pl.BlockSpec((R, 128), lambda i: (i, 0)),
            pl.BlockSpec((128, 128), lambda i: (0, 0)),
            pl.BlockSpec((R, 1), lambda i: (i, 0)),
            pl.BlockSpec((R, 1), lambda i: (i, 0)),
        ],
        out_specs=[
            pl.BlockSpec((R, 128), lambda i: (i, 0)),
            pl.BlockSpec((R, 128), lambda i: (i, 0)),
        ],
        out_shape=[
            jax.ShapeDtypeStruct((NPAD, 128), F32),
            jax.ShapeDtypeStruct((NPAD, 128), F32),
        ],
    )(xp, W1, d0, d1)


def _tc2(a0, a1, g1, dv, b1, W2):

    def body(a0_ref, a1_ref, g_ref, dv_ref, b_ref, w_ref, o_ref):
        dvb = dv_ref[...]
        pre = (a0_ref[...] + a1_ref[...] + g_ref[...]) * dvb + b_ref[...]
        h = jnp.maximum(pre, 0.0)
        h2 = jnp.dot(h, w_ref[...],
                     preferred_element_type=F32,
                     precision=lax.Precision.HIGHEST)
        o_ref[...] = jnp.concatenate(
            [h2 * dvb[:, :64], jnp.zeros((R, 64), F32)], axis=1)

    return pl.pallas_call(
        body,
        grid=(GRID,),
        in_specs=[
            pl.BlockSpec((R, 128), lambda i: (i, 0)),
            pl.BlockSpec((R, 128), lambda i: (i, 0)),
            pl.BlockSpec((R, 128), lambda i: (i, 0)),
            pl.BlockSpec((R, 128), lambda i: (i, 0)),
            pl.BlockSpec((1, 128), lambda i: (0, 0)),
            pl.BlockSpec((128, 64), lambda i: (0, 0)),
        ],
        out_specs=pl.BlockSpec((R, 128), lambda i: (i, 0)),
        out_shape=jax.ShapeDtypeStruct((NPAD, 128), F32),
    )(a0, a1, g1, dv, b1, W2)


def _tc3(a0, a1, g2, dv, b2):

    def body(a0_ref, a1_ref, g_ref, dv_ref, b_ref, o_ref):
        acc = a0_ref[...] + a1_ref[...] + g_ref[...]
        o_ref[...] = acc[:, :64] * dv_ref[...][:, :64] + b_ref[...]

    return pl.pallas_call(
        body,
        grid=(GRID,),
        in_specs=[
            pl.BlockSpec((R, 128), lambda i: (i, 0)),
            pl.BlockSpec((R, 128), lambda i: (i, 0)),
            pl.BlockSpec((R, 128), lambda i: (i, 0)),
            pl.BlockSpec((R, 128), lambda i: (i, 0)),
            pl.BlockSpec((1, 64), lambda i: (0, 0)),
        ],
        out_specs=pl.BlockSpec((R, 64), lambda i: (i, 0)),
        out_shape=jax.ShapeDtypeStruct((NPAD, 64), F32),
    )(a0, a1, g2, dv, b2)


def kernel(x, edge_index, W1, b1, W2, b2):
    ei = edge_index.astype(jnp.int32)
    padcol = jnp.full((2, EPAD - E), PAD, jnp.int32)
    eip = jnp.concatenate([ei, padcol], axis=1)
    srcs = eip[0].reshape(TILES, NB, B)
    dsts = eip[1].reshape(TILES, NB, B)
    xp = jnp.zeros((NPAD, 128), F32).at[:N].set(x)

    degp = _deg_call(dsts)
    d0 = degp[:NPAD, None]
    d1 = degp[NPAD:, None]

    g1, dv = _tc1(xp, W1, d0, d1)

    acc1 = _scatter_call(g1, srcs, dsts, jnp.zeros((NPAD, 128), F32), 128)
    g2 = _tc2(acc1[:NPAD], acc1[NPAD:], g1, dv, b1.reshape(1, 128), W2)

    acc2 = _scatter_call(g2, srcs, dsts, jnp.zeros((NPAD, 128), F32), 128)
    out = _tc3(acc2[:NPAD], acc2[NPAD:], g2, dv, b2.reshape(1, 64))
    return out[:N]

# --- scband reference (transcript-rebuilt; emitter-appended) ---
"""Pipeline reference for scband-gnn-41832981463599 (READ-ONLY COPY).

The authoritative reference and input builder live on the scoring server;
editing this copy changes nothing except your own understanding.
"""

import jax, jax.numpy as jnp
import numpy as np

N_NODES = 10000


def gcn_conv(x, edge_index, W, b):
    n = x.shape[0]
    src = edge_index[0]
    dst = edge_index[1]
    # add self loops
    loop = jnp.arange(n, dtype=edge_index.dtype)
    src = jnp.concatenate([src, loop])
    dst = jnp.concatenate([dst, loop])
    # symmetric normalization: deg computed on dst
    deg = jnp.zeros((n,), dtype=x.dtype).at[dst].add(1.0)
    deg_inv_sqrt = jnp.where(deg > 0, jax.lax.rsqrt(jnp.where(deg > 0, deg, 1.0)), 0.0)
    norm = deg_inv_sqrt[src] * deg_inv_sqrt[dst]
    # linear transform first (as in PyG GCNConv), then propagate
    h = x @ W
    msg = h[src] * norm[:, None]
    out = jnp.zeros((n, W.shape[1]), dtype=x.dtype).at[dst].add(msg)
    return out + b


def setup_inputs(seed: int = 0) -> dict:
    key = jax.random.key(seed)
    k1, k2, k3, k4, k5, k6 = jax.random.split(key, 6)
    x = jax.random.normal(k1, (N_NODES, 128), dtype=jnp.float32)
    edge_index = jax.random.randint(k2, (2, 320000), 0, N_NODES, dtype=jnp.int64)
    # glorot-style init for GCN weights
    W1 = jax.random.normal(k3, (128, 128), dtype=jnp.float32) * (1.0 / np.sqrt(128))
    b1 = jnp.zeros((128,), dtype=jnp.float32)
    W2 = jax.random.normal(k4, (128, 64), dtype=jnp.float32) * (1.0 / np.sqrt(128))
    b2 = jnp.zeros((64,), dtype=jnp.float32)
    return {"x": x, "edge_index": edge_index, "W1": W1, "b1": b1, "W2": W2, "b2": b2}


def reference(x, edge_index, W1, b1, W2, b2):
    h = gcn_conv(x, edge_index, W1, b1)
    h = jax.nn.relu(h)
    out = gcn_conv(h, edge_index, W2, b2)
    return out

if __name__ == "__main__":
    import jax
    _d = setup_inputs()
    print(jax.jit(kernel)(*tuple(_d.values())))

</pallas_src>

<mosaic_0001>
#map = affine_map<(d0, d1) -> (0, 0)>
#map1 = affine_map<(d0, d1) -> (0, 0, 0)>
module attributes {stable_mosaic.version = 14 : i64} {
  func.func @sc_kernel(%arg0: i32, %arg1: i32, %arg2: memref<10240x128xf32, #tpu.memory_space<hbm>>, %arg3: memref<32x80x128xi32, #tpu.memory_space<hbm>>, %arg4: memref<32x80x128xi32, #tpu.memory_space<hbm>>, %arg5: memref<10240x128xf32, #tpu.memory_space<hbm>>, %arg6: memref<20480x128xf32, #tpu.memory_space<hbm>>, %arg7: memref<80x128xi32, #tpu.memory_space<vmem>>, %arg8: memref<80x128xi32, #tpu.memory_space<vmem>>, %arg9: memref<128x128xf32, #tpu.memory_space<vmem>>, %arg10: memref<10240x128xf32, #tpu.memory_space<vmem_shared>>, %arg11: memref<!tpu.dma_semaphore, #tpu.memory_space<semaphore_mem>>) attributes {dimension_semantics = [#tpu.dimension_semantics<core_parallel>, #tpu.dimension_semantics<subcore_parallel>], iteration_bounds = array<i64: 2, 16>, scalar_prefetch = 0 : i64, scratch_operands = 5 : i64, tpu.core_type = #tpu.core_type<sc_vector_subcore>, window_params = [{transform_indices = #map}, {transform_indices = #map1}, {transform_indices = #map1}, {transform_indices = #map}, {transform_indices = #map}]} {
    %mul3A = arith.constant 640 : i32
    %mul3A_0 = arith.muli %arg1, %mul3A : i32
    %mul3A_1 = arith.constant 640 : i32
    %mul3A_2 = arith.muli %arg1, %mul3A_1 : i32
    "tpu.region"() ({
      %run_scoped3A = tpu.sem_alloc : memref<!tpu.dma_semaphore, #tpu.memory_space<semaphore_mem>>
      %dma_start3A = arith.constant 0 : i32
      %dma_start3A_18 = tpu.memref_slice %arg10[%mul3A_2, %dma_start3A] : memref<10240x128xf32, #tpu.memory_space<vmem_shared>> -> memref<640x128xf32, #tpu.memory_space<vmem_shared>>
      %dma_start3A_19 = arith.constant 0 : i32
      %dma_start3A_20 = tpu.memref_slice %arg5[%mul3A_0, %dma_start3A_19] : memref<10240x128xf32, #tpu.memory_space<hbm>> -> memref<640x128xf32, #tpu.memory_space<hbm>>
      tpu.enqueue_dma source(%dma_start3A_20 : memref<640x128xf32, #tpu.memory_space<hbm>>) target(%dma_start3A_18 : memref<640x128xf32, #tpu.memory_space<vmem_shared>>) target_semaphore(%run_scoped3A : memref<!tpu.dma_semaphore, #tpu.memory_space<semaphore_mem>>)
      %dma_wait3A = arith.constant 0 : i32
      %dma_wait3A_21 = tpu.memref_slice %arg10[%mul3A_2, %dma_wait3A] : memref<10240x128xf32, #tpu.memory_space<vmem_shared>> -> memref<640x128xf32, #tpu.memory_space<vmem_shared>>
      %dma_wait3A_22 = arith.constant 0 : i32
      %dma_wait3A_23 = tpu.memref_slice %arg5[%mul3A_0, %dma_wait3A_22] : memref<10240x128xf32, #tpu.memory_space<hbm>> -> memref<640x128xf32, #tpu.memory_space<hbm>>
      tpu.wait_dma2 semaphore(%run_scoped3A : memref<!tpu.dma_semaphore, #tpu.memory_space<semaphore_mem>>) src(%dma_wait3A_23 : memref<640x128xf32, #tpu.memory_space<hbm>>) dst(%dma_wait3A_21 : memref<640x128xf32, #tpu.memory_space<vmem_shared>>)
      tpu.yield
    }) : () -> ()
    %mul3A_3 = arith.constant 16 : i32
    %mul3A_4 = arith.muli %arg0, %mul3A_3 : i32
    %add3A = arith.addi %mul3A_4, %arg1 : i32
    "tpu.region"() ({
      %run_scoped3A = tpu.sem_alloc : memref<!tpu.dma_semaphore, #tpu.memory_space<semaphore_mem>>
      %dma_start3A = arith.constant 0 : i32
      %dma_start3A_18 = arith.constant 0 : i32
      %dma_start3A_19 = tpu.memref_slice %arg3[%add3A, %dma_start3A, %dma_start3A_18] : memref<32x80x128xi32, #tpu.memory_space<hbm>> -> memref<1x80x128xi32, #tpu.memory_space<hbm>>
      %dma_start3A_20 = tpu.memref_squeeze %dma_start3A_19 : memref<1x80x128xi32, #tpu.memory_space<hbm>> -> memref<80x128xi32, #tpu.memory_space<hbm>>
      %dma_start3A_21 = arith.constant 0 : i32
      %dma_start3A_22 = arith.constant 0 : i32
      %dma_start3A_23 = tpu.memref_slice %arg3[%add3A, %dma_start3A_21, %dma_start3A_22] : memref<32x80x128xi32, #tpu.memory_space<hbm>> -> memref<1x80x128xi32, #tpu.memory_space<hbm>>
      %dma_start3A_24 = tpu.memref_squeeze %dma_start3A_23 : memref<1x80x128xi32, #tpu.memory_space<hbm>> -> memref<80x128xi32, #tpu.memory_space<hbm>>
      tpu.enqueue_dma source(%dma_start3A_24 : memref<80x128xi32, #tpu.memory_space<hbm>>) target(%arg7 : memref<80x128xi32, #tpu.memory_space<vmem>>) target_semaphore(%run_scoped3A : memref<!tpu.dma_semaphore, #tpu.memory_space<semaphore_mem>>)
      %dma_wait3A = arith.constant 0 : i32
      %dma_wait3A_25 = arith.constant 0 : i32
      %dma_wait3A_26 = tpu.memref_slice %arg3[%add3A, %dma_wait3A, %dma_wait3A_25] : memref<32x80x128xi32, #tpu.memory_space<hbm>> -> memref<1x80x128xi32, #tpu.memory_space<hbm>>
      %dma_wait3A_27 = tpu.memref_squeeze %dma_wait3A_26 : memref<1x80x128xi32, #tpu.memory_space<hbm>> -> memref<80x128xi32, #tpu.memory_space<hbm>>
      %dma_wait3A_28 = arith.constant 0 : i32
      %dma_wait3A_29 = arith.constant 0 : i32
      %dma_wait3A_30 = tpu.memref_slice %arg3[%add3A, %dma_wait3A_28, %dma_wait3A_29] : memref<32x80x128xi32, #tpu.memory_space<hbm>> -> memref<1x80x128xi32, #tpu.memory_space<hbm>>
      %dma_wait3A_31 = tpu.memref_squeeze %dma_wait3A_30 : memref<1x80x128xi32, #tpu.memory_space<hbm>> -> memref<80x128xi32, #tpu.memory_space<hbm>>
      tpu.wait_dma2 semaphore(%run_scoped3A : memref<!tpu.dma_semaphore, #tpu.memory_space<semaphore_mem>>) src(%dma_wait3A_31 : memref<80x128xi32, #tpu.memory_space<hbm>>) dst(%arg7 : memref<80x128xi32, #tpu.memory_space<vmem>>)
      tpu.yield
    }) : () -> ()
    "tpu.region"() ({
      %run_scoped3A = tpu.sem_alloc : memref<!tpu.dma_semaphore, #tpu.memory_space<semaphore_mem>>
      %dma_start3A = arith.constant 0 : i32
      %dma_start3A_18 = arith.constant 0 : i32
      %dma_start3A_19 = tpu.memref_slice %arg4[%add3A, %dma_start3A, %dma_start3A_18] : memref<32x80x128xi32, #tpu.memory_space<hbm>> -> memref<1x80x128xi32, #tpu.memory_space<hbm>>
      %dma_start3A_20 = tpu.memref_squeeze %dma_start3A_19 : memref<1x80x128xi32, #tpu.memory_space<hbm>> -> memref<80x128xi32, #tpu.memory_space<hbm>>
      %dma_start3A_21 = arith.constant 0 : i32
      %dma_start3A_22 = arith.constant 0 : i32
      %dma_start3A_23 = tpu.memref_slice %arg4[%add3A, %dma_start3A_21, %dma_start3A_22] : memref<32x80x128xi32, #tpu.memory_space<hbm>> -> memref<1x80x128xi32, #tpu.memory_space<hbm>>
      %dma_start3A_24 = tpu.memref_squeeze %dma_start3A_23 : memref<1x80x128xi32, #tpu.memory_space<hbm>> -> memref<80x128xi32, #tpu.memory_space<hbm>>
      tpu.enqueue_dma source(%dma_start3A_24 : memref<80x128xi32, #tpu.memory_space<hbm>>) target(%arg8 : memref<80x128xi32, #tpu.memory_space<vmem>>) target_semaphore(%run_scoped3A : memref<!tpu.dma_semaphore, #tpu.memory_space<semaphore_mem>>)
      %dma_wait3A = arith.constant 0 : i32
      %dma_wait3A_25 = arith.constant 0 : i32
      %dma_wait3A_26 = tpu.memref_slice %arg4[%add3A, %dma_wait3A, %dma_wait3A_25] : memref<32x80x128xi32, #tpu.memory_space<hbm>> -> memref<1x80x128xi32, #tpu.memory_space<hbm>>
      %dma_wait3A_27 = tpu.memref_squeeze %dma_wait3A_26 : memref<1x80x128xi32, #tpu.memory_space<hbm>> -> memref<80x128xi32, #tpu.memory_space<hbm>>
      %dma_wait3A_28 = arith.constant 0 : i32
      %dma_wait3A_29 = arith.constant 0 : i32
      %dma_wait3A_30 = tpu.memref_slice %arg4[%add3A, %dma_wait3A_28, %dma_wait3A_29] : memref<32x80x128xi32, #tpu.memory_space<hbm>> -> memref<1x80x128xi32, #tpu.memory_space<hbm>>
      %dma_wait3A_31 = tpu.memref_squeeze %dma_wait3A_30 : memref<1x80x128xi32, #tpu.memory_space<hbm>> -> memref<80x128xi32, #tpu.memory_space<hbm>>
      tpu.wait_dma2 semaphore(%run_scoped3A : memref<!tpu.dma_semaphore, #tpu.memory_space<semaphore_mem>>) src(%dma_wait3A_31 : memref<80x128xi32, #tpu.memory_space<hbm>>) dst(%arg8 : memref<80x128xi32, #tpu.memory_space<vmem>>)
      tpu.yield
    }) : () -> ()
    %barrier3A = arith.constant 0 : index
    tpu.barrier barrier_id(%barrier3A)
    %scan3A = arith.constant 0 : i32
    %scan3A_5 = arith.constant 0 : i32
    %scan3A_6 = arith.constant 80 : i32
    %scan3A_7 = arith.addi %scan3A_5, %scan3A_6 : i32
    %scan3A_8 = arith.constant 1 : i32
    scf.for %scan3A_18 = %scan3A_5 to %scan3A_7 step %scan3A_8  : i32 {
      %dma_start3A = arith.constant 0 : i32
      %dma_start3A_19 = tpu.memref_slice %arg7[%scan3A_18, %dma_start3A] : memref<80x128xi32, #tpu.memory_space<vmem>> -> memref<1x128xi32, #tpu.memory_space<vmem>>
      %dma_start3A_20 = tpu.memref_squeeze %dma_start3A_19 : memref<1x128xi32, #tpu.memory_space<vmem>> -> memref<128xi32, #tpu.memory_space<vmem>>
      %dma_start3A_21 = arith.constant 0 : i32
      %dma_start3A_22 = arith.constant 0 : i32
      %dma_start3A_23 = tpu.memref_slice %arg2[%dma_start3A_21, %dma_start3A_22] : memref<10240x128xf32, #tpu.memory_space<hbm>> -> memref<10240x128xf32, #tpu.memory_space<hbm>>
      tpu.enqueue_indirect_dma source(%dma_start3A_23 : memref<10240x128xf32, #tpu.memory_space<hbm>>) target(%arg9 : memref<128x128xf32, #tpu.memory_space<vmem>>) offsets(%dma_start3A_20 : memref<128xi32, #tpu.memory_space<vmem>>) semaphore(%arg11 : memref<!tpu.dma_semaphore, #tpu.memory_space<semaphore_mem>>)
      %dma_wait3A = arith.constant 0 : i32
      %dma_wait3A_24 = tpu.memref_slice %arg7[%scan3A_18, %dma_wait3A] : memref<80x128xi32, #tpu.memory_space<vmem>> -> memref<1x128xi32, #tpu.memory_space<vmem>>
      %dma_wait3A_25 = tpu.memref_squeeze %dma_wait3A_24 : memref<1x128xi32, #tpu.memory_space<vmem>> -> memref<128xi32, #tpu.memory_space<vmem>>
      %dma_wait3A_26 = arith.constant 0 : i32
      %dma_wait3A_27 = arith.constant 0 : i32
      %dma_wait3A_28 = tpu.memref_slice %arg2[%dma_wait3A_26, %dma_wait3A_27] : memref<10240x128xf32, #tpu.memory_space<hbm>> -> memref<10240x128xf32, #tpu.memory_space<hbm>>
      tpu.wait_indirect_dma semaphore(%arg11 : memref<!tpu.dma_semaphore, #tpu.memory_space<semaphore_mem>>) src(%dma_wait3A_28 : memref<10240x128xf32, #tpu.memory_space<hbm>>) dst(%arg9 : memref<128x128xf32, #tpu.memory_space<vmem>>)
      "tpu.region"() ({
        %run_scoped3A = tpu.sem_alloc : memref<!tpu.dma_semaphore, #tpu.memory_space<semaphore_mem>>
        %dma_start3A_29 = arith.constant 0 : i32
        %dma_start3A_30 = tpu.memref_slice %arg8[%scan3A_18, %dma_start3A_29] : memref<80x128xi32, #tpu.memory_space<vmem>> -> memref<1x128xi32, #tpu.memory_space<vmem>>
        %dma_start3A_31 = tpu.memref_squeeze %dma_start3A_30 : memref<1x128xi32, #tpu.memory_space<vmem>> -> memref<128xi32, #tpu.memory_space<vmem>>
        %dma_start3A_32 = arith.constant 0 : i32
        %dma_start3A_33 = arith.constant 0 : i32
        %dma_start3A_34 = tpu.memref_slice %arg10[%dma_start3A_32, %dma_start3A_33] : memref<10240x128xf32, #tpu.memory_space<vmem_shared>> -> memref<10240x128xf32, #tpu.memory_space<vmem_shared>>
        tpu.enqueue_indirect_dma source(%arg9 : memref<128x128xf32, #tpu.memory_space<vmem>>) target(%dma_start3A_34 : memref<10240x128xf32, #tpu.memory_space<vmem_shared>>) offsets(%dma_start3A_31 : memref<128xi32, #tpu.memory_space<vmem>>) semaphore(%run_scoped3A : memref<!tpu.dma_semaphore, #tpu.memory_space<semaphore_mem>>) {add = true}
        %dma_wait3A_35 = arith.constant 0 : i32
        %dma_wait3A_36 = tpu.memref_slice %arg8[%scan3A_18, %dma_wait3A_35] : memref<80x128xi32, #tpu.memory_space<vmem>> -> memref<1x128xi32, #tpu.memory_space<vmem>>
        %dma_wait3A_37 = tpu.memref_squeeze %dma_wait3A_36 : memref<1x128xi32, #tpu.memory_space<vmem>> -> memref<128xi32, #tpu.memory_space<vmem>>
        %dma_wait3A_38 = arith.constant 0 : i32
        %dma_wait3A_39 = arith.constant 0 : i32
        %dma_wait3A_40 = tpu.memref_slice %arg10[%dma_wait3A_38, %dma_wait3A_39] : memref<10240x128xf32, #tpu.memory_space<vmem_shared>> -> memref<10240x128xf32, #tpu.memory_space<vmem_shared>>
        tpu.wait_indirect_dma semaphore(%run_scoped3A : memref<!tpu.dma_semaphore, #tpu.memory_space<semaphore_mem>>) src(%arg9 : memref<128x128xf32, #tpu.memory_space<vmem>>) dst(%dma_wait3A_40 : memref<10240x128xf32, #tpu.memory_space<vmem_shared>>)
        tpu.yield
      }) : () -> ()
    }
    %scan3A_9 = arith.constant 80 : i32
    %barrier3A_10 = arith.constant 0 : index
    tpu.barrier barrier_id(%barrier3A_10)
    %mul3A_11 = arith.constant 640 : i32
    %mul3A_12 = arith.muli %arg1, %mul3A_11 : i32
    %mul3A_13 = arith.constant 10240 : i32
    %mul3A_14 = arith.muli %arg0, %mul3A_13 : i32
    %mul3A_15 = arith.constant 640 : i32
    %mul3A_16 = arith.muli %arg1, %mul3A_15 : i32
    %add3A_17 = arith.addi %mul3A_14, %mul3A_16 : i32
    "tpu.region"() ({
      %run_scoped3A = tpu.sem_alloc : memref<!tpu.dma_semaphore, #tpu.memory_space<semaphore_mem>>
      %dma_start3A = arith.constant 0 : i32
      %dma_start3A_18 = tpu.memref_slice %arg6[%add3A_17, %dma_start3A] : memref<20480x128xf32, #tpu.memory_space<hbm>> -> memref<640x128xf32, #tpu.memory_space<hbm>>
      %dma_start3A_19 = arith.constant 0 : i32
      %dma_start3A_20 = tpu.memref_slice %arg10[%mul3A_12, %dma_start3A_19] : memref<10240x128xf32, #tpu.memory_space<vmem_shared>> -> memref<640x128xf32, #tpu.memory_space<vmem_shared>>
      tpu.enqueue_dma source(%dma_start3A_20 : memref<640x128xf32, #tpu.memory_space<vmem_shared>>) target(%dma_start3A_18 : memref<640x128xf32, #tpu.memory_space<hbm>>) target_semaphore(%run_scoped3A : memref<!tpu.dma_semaphore, #tpu.memory_space<semaphore_mem>>)
      %dma_wait3A = arith.constant 0 : i32
      %dma_wait3A_21 = tpu.memref_slice %arg6[%add3A_17, %dma_wait3A] : memref<20480x128xf32, #tpu.memory_space<hbm>> -> memref<640x128xf32, #tpu.memory_space<hbm>>
      %dma_wait3A_22 = arith.constant 0 : i32
      %dma_wait3A_23 = tpu.memref_slice %arg10[%mul3A_12, %dma_wait3A_22] : memref<10240x128xf32, #tpu.memory_space<vmem_shared>> -> memref<640x128xf32, #tpu.memory_space<vmem_shared>>
      tpu.wait_dma2 semaphore(%run_scoped3A : memref<!tpu.dma_semaphore, #tpu.memory_space<semaphore_mem>>) src(%dma_wait3A_23 : memref<640x128xf32, #tpu.memory_space<vmem_shared>>) dst(%dma_wait3A_21 : memref<640x128xf32, #tpu.memory_space<hbm>>)
      tpu.yield
    }) : () -> ()
    return
  }
}

#map = affine_map<(d0, d1) -> (0, 0)>
#map1 = affine_map<(d0, d1) -> (0, 0, 0)>
module attributes {stable_mosaic.version = 14 : i64} {
  func.func @sc_kernel(%arg0: i32, %arg1: i32, %arg2: memref<10240x128xf32, #tpu.memory_space<hbm>>, %arg3: memref<32x80x128xi32, #tpu.memory_space<hbm>>, %arg4: memref<32x80x128xi32, #tpu.memory_space<hbm>>, %arg5: memref<10240x128xf32, #tpu.memory_space<hbm>>, %arg6: memref<20480x128xf32, #tpu.memory_space<hbm>>, %arg7: memref<80x128xi32, #tpu.memory_space<vmem>>, %arg8: memref<80x128xi32, #tpu.memory_space<vmem>>, %arg9: memref<128x128xf32, #tpu.memory_space<vmem>>, %arg10: memref<10240x128xf32, #tpu.memory_space<vmem_shared>>, %arg11: memref<!tpu.dma_semaphore, #tpu.memory_space<semaphore_mem>>) attributes {dimension_semantics = [#tpu.dimension_semantics<core_parallel>, #tpu.dimension_semantics<subcore_parallel>], iteration_bounds = array<i64: 2, 16>, scalar_prefetch = 0 : i64, scratch_operands = 5 : i64, tpu.core_type = #tpu.core_type<sc_vector_subcore>, window_params = [{transform_indices = #map}, {transform_indices = #map1}, {transform_indices = #map1}, {transform_indices = #map}, {transform_indices = #map}]} {
    %mul3A = arith.constant 640 : i32
    %mul3A_0 = arith.muli %arg1, %mul3A : i32
    %mul3A_1 = arith.constant 640 : i32
    %mul3A_2 = arith.muli %arg1, %mul3A_1 : i32
    "tpu.region"() ({
      %run_scoped3A = tpu.sem_alloc : memref<!tpu.dma_semaphore, #tpu.memory_space<semaphore_mem>>
      %dma_start3A = arith.constant 0 : i32
      %dma_start3A_18 = tpu.memref_slice %arg10[%mul3A_2, %dma_start3A] : memref<10240x128xf32, #tpu.memory_space<vmem_shared>> -> memref<640x128xf32, #tpu.memory_space<vmem_shared>>
      %dma_start3A_19 = arith.constant 0 : i32
      %dma_start3A_20 = tpu.memref_slice %arg5[%mul3A_0, %dma_start3A_19] : memref<10240x128xf32, #tpu.memory_space<hbm>> -> memref<640x128xf32, #tpu.memory_space<hbm>>
      tpu.enqueue_dma source(%dma_start3A_20 : memref<640x128xf32, #tpu.memory_space<hbm>>) target(%dma_start3A_18 : memref<640x128xf32, #tpu.memory_space<vmem_shared>>) target_semaphore(%run_scoped3A : memref<!tpu.dma_semaphore, #tpu.memory_space<semaphore_mem>>)
      %dma_wait3A = arith.constant 0 : i32
      %dma_wait3A_21 = tpu.memref_slice %arg10[%mul3A_2, %dma_wait3A] : memref<10240x128xf32, #tpu.memory_space<vmem_shared>> -> memref<640x128xf32, #tpu.memory_space<vmem_shared>>
      %dma_wait3A_22 = arith.constant 0 : i32
      %dma_wait3A_23 = tpu.memref_slice %arg5[%mul3A_0, %dma_wait3A_22] : memref<10240x128xf32, #tpu.memory_space<hbm>> -> memref<640x128xf32, #tpu.memory_space<hbm>>
      tpu.wait_dma2 semaphore(%run_scoped3A : memref<!tpu.dma_semaphore, #tpu.memory_space<semaphore_mem>>) src(%dma_wait3A_23 : memref<640x128xf32, #tpu.memory_space<hbm>>) dst(%dma_wait3A_21 : memref<640x128xf32, #tpu.memory_space<vmem_shared>>)
      tpu.yield
    }) : () -> ()
    %mul3A_3 = arith.constant 16 : i32
    %mul3A_4 = arith.muli %arg0, %mul3A_3 : i32
    %add3A = arith.addi %mul3A_4, %arg1 : i32
    "tpu.region"() ({
      %run_scoped3A = tpu.sem_alloc : memref<!tpu.dma_semaphore, #tpu.memory_space<semaphore_mem>>
      %dma_start3A = arith.constant 0 : i32
      %dma_start3A_18 = arith.constant 0 : i32
      %dma_start3A_19 = tpu.memref_slice %arg3[%add3A, %dma_start3A, %dma_start3A_18] : memref<32x80x128xi32, #tpu.memory_space<hbm>> -> memref<1x80x128xi32, #tpu.memory_space<hbm>>
      %dma_start3A_20 = tpu.memref_squeeze %dma_start3A_19 : memref<1x80x128xi32, #tpu.memory_space<hbm>> -> memref<80x128xi32, #tpu.memory_space<hbm>>
      %dma_start3A_21 = arith.constant 0 : i32
      %dma_start3A_22 = arith.constant 0 : i32
      %dma_start3A_23 = tpu.memref_slice %arg3[%add3A, %dma_start3A_21, %dma_start3A_22] : memref<32x80x128xi32, #tpu.memory_space<hbm>> -> memref<1x80x128xi32, #tpu.memory_space<hbm>>
      %dma_start3A_24 = tpu.memref_squeeze %dma_start3A_23 : memref<1x80x128xi32, #tpu.memory_space<hbm>> -> memref<80x128xi32, #tpu.memory_space<hbm>>
      tpu.enqueue_dma source(%dma_start3A_24 : memref<80x128xi32, #tpu.memory_space<hbm>>) target(%arg7 : memref<80x128xi32, #tpu.memory_space<vmem>>) target_semaphore(%run_scoped3A : memref<!tpu.dma_semaphore, #tpu.memory_space<semaphore_mem>>)
      %dma_wait3A = arith.constant 0 : i32
      %dma_wait3A_25 = arith.constant 0 : i32
      %dma_wait3A_26 = tpu.memref_slice %arg3[%add3A, %dma_wait3A, %dma_wait3A_25] : memref<32x80x128xi32, #tpu.memory_space<hbm>> -> memref<1x80x128xi32, #tpu.memory_space<hbm>>
      %dma_wait3A_27 = tpu.memref_squeeze %dma_wait3A_26 : memref<1x80x128xi32, #tpu.memory_space<hbm>> -> memref<80x128xi32, #tpu.memory_space<hbm>>
      %dma_wait3A_28 = arith.constant 0 : i32
      %dma_wait3A_29 = arith.constant 0 : i32
      %dma_wait3A_30 = tpu.memref_slice %arg3[%add3A, %dma_wait3A_28, %dma_wait3A_29] : memref<32x80x128xi32, #tpu.memory_space<hbm>> -> memref<1x80x128xi32, #tpu.memory_space<hbm>>
      %dma_wait3A_31 = tpu.memref_squeeze %dma_wait3A_30 : memref<1x80x128xi32, #tpu.memory_space<hbm>> -> memref<80x128xi32, #tpu.memory_space<hbm>>
      tpu.wait_dma2 semaphore(%run_scoped3A : memref<!tpu.dma_semaphore, #tpu.memory_space<semaphore_mem>>) src(%dma_wait3A_31 : memref<80x128xi32, #tpu.memory_space<hbm>>) dst(%arg7 : memref<80x128xi32, #tpu.memory_space<vmem>>)
      tpu.yield
    }) : () -> ()
    "tpu.region"() ({
      %run_scoped3A = tpu.sem_alloc : memref<!tpu.dma_semaphore, #tpu.memory_space<semaphore_mem>>
      %dma_start3A = arith.constant 0 : i32
      %dma_start3A_18 = arith.constant 0 : i32
      %dma_start3A_19 = tpu.memref_slice %arg4[%add3A, %dma_start3A, %dma_start3A_18] : memref<32x80x128xi32, #tpu.memory_space<hbm>> -> memref<1x80x128xi32, #tpu.memory_space<hbm>>
      %dma_start3A_20 = tpu.memref_squeeze %dma_start3A_19 : memref<1x80x128xi32, #tpu.memory_space<hbm>> -> memref<80x128xi32, #tpu.memory_space<hbm>>
      %dma_start3A_21 = arith.constant 0 : i32
      %dma_start3A_22 = arith.constant 0 : i32
      %dma_start3A_23 = tpu.memref_slice %arg4[%add3A, %dma_start3A_21, %dma_start3A_22] : memref<32x80x128xi32, #tpu.memory_space<hbm>> -> memref<1x80x128xi32, #tpu.memory_space<hbm>>
      %dma_start3A_24 = tpu.memref_squeeze %dma_start3A_23 : memref<1x80x128xi32, #tpu.memory_space<hbm>> -> memref<80x128xi32, #tpu.memory_space<hbm>>
      tpu.enqueue_dma source(%dma_start3A_24 : memref<80x128xi32, #tpu.memory_space<hbm>>) target(%arg8 : memref<80x128xi32, #tpu.memory_space<vmem>>) target_semaphore(%run_scoped3A : memref<!tpu.dma_semaphore, #tpu.memory_space<semaphore_mem>>)
      %dma_wait3A = arith.constant 0 : i32
      %dma_wait3A_25 = arith.constant 0 : i32
      %dma_wait3A_26 = tpu.memref_slice %arg4[%add3A, %dma_wait3A, %dma_wait3A_25] : memref<32x80x128xi32, #tpu.memory_space<hbm>> -> memref<1x80x128xi32, #tpu.memory_space<hbm>>
      %dma_wait3A_27 = tpu.memref_squeeze %dma_wait3A_26 : memref<1x80x128xi32, #tpu.memory_space<hbm>> -> memref<80x128xi32, #tpu.memory_space<hbm>>
      %dma_wait3A_28 = arith.constant 0 : i32
      %dma_wait3A_29 = arith.constant 0 : i32
      %dma_wait3A_30 = tpu.memref_slice %arg4[%add3A, %dma_wait3A_28, %dma_wait3A_29] : memref<32x80x128xi32, #tpu.memory_space<hbm>> -> memref<1x80x128xi32, #tpu.memory_space<hbm>>
      %dma_wait3A_31 = tpu.memref_squeeze %dma_wait3A_30 : memref<1x80x128xi32, #tpu.memory_space<hbm>> -> memref<80x128xi32, #tpu.memory_space<hbm>>
      tpu.wait_dma2 semaphore(%run_scoped3A : memref<!tpu.dma_semaphore, #tpu.memory_space<semaphore_mem>>) src(%dma_wait3A_31 : memref<80x128xi32, #tpu.memory_space<hbm>>) dst(%arg8 : memref<80x128xi32, #tpu.memory_space<vmem>>)
      tpu.yield
    }) : () -> ()
    %barrier3A = arith.constant 0 : index
    tpu.barrier barrier_id(%barrier3A)
    %scan3A = arith.constant 0 : i32
    %scan3A_5 = arith.constant 0 : i32
    %scan3A_6 = arith.constant 80 : i32
    %scan3A_7 = arith.addi %scan3A_5, %scan3A_6 : i32
    %scan3A_8 = arith.constant 1 : i32
    scf.for %scan3A_18 = %scan3A_5 to %scan3A_7 step %scan3A_8  : i32 {
      %dma_start3A = arith.constant 0 : i32
      %dma_start3A_19 = tpu.memref_slice %arg7[%scan3A_18, %dma_start3A] : memref<80x128xi32, #tpu.memory_space<vmem>> -> memref<1x128xi32, #tpu.memory_space<vmem>>
      %dma_start3A_20 = tpu.memref_squeeze %dma_start3A_19 : memref<1x128xi32, #tpu.memory_space<vmem>> -> memref<128xi32, #tpu.memory_space<vmem>>
      %dma_start3A_21 = arith.constant 0 : i32
      %dma_start3A_22 = arith.constant 0 : i32
      %dma_start3A_23 = tpu.memref_slice %arg2[%dma_start3A_21, %dma_start3A_22] : memref<10240x128xf32, #tpu.memory_space<hbm>> -> memref<10240x128xf32, #tpu.memory_space<hbm>>
      tpu.enqueue_indirect_dma source(%dma_start3A_23 : memref<10240x128xf32, #tpu.memory_space<hbm>>) target(%arg9 : memref<128x128xf32, #tpu.memory_space<vmem>>) offsets(%dma_start3A_20 : memref<128xi32, #tpu.memory_space<vmem>>) semaphore(%arg11 : memref<!tpu.dma_semaphore, #tpu.memory_space<semaphore_mem>>)
      %dma_wait3A = arith.constant 0 : i32
      %dma_wait3A_24 = tpu.memref_slice %arg7[%scan3A_18, %dma_wait3A] : memref<80x128xi32, #tpu.memory_space<vmem>> -> memref<1x128xi32, #tpu.memory_space<vmem>>
      %dma_wait3A_25 = tpu.memref_squeeze %dma_wait3A_24 : memref<1x128xi32, #tpu.memory_space<vmem>> -> memref<128xi32, #tpu.memory_space<vmem>>
      %dma_wait3A_26 = arith.constant 0 : i32
      %dma_wait3A_27 = arith.constant 0 : i32
      %dma_wait3A_28 = tpu.memref_slice %arg2[%dma_wait3A_26, %dma_wait3A_27] : memref<10240x128xf32, #tpu.memory_space<hbm>> -> memref<10240x128xf32, #tpu.memory_space<hbm>>
      tpu.wait_indirect_dma semaphore(%arg11 : memref<!tpu.dma_semaphore, #tpu.memory_space<semaphore_mem>>) src(%dma_wait3A_28 : memref<10240x128xf32, #tpu.memory_space<hbm>>) dst(%arg9 : memref<128x128xf32, #tpu.memory_space<vmem>>)
      "tpu.region"() ({
        %run_scoped3A = tpu.sem_alloc : memref<!tpu.dma_semaphore, #tpu.memory_space<semaphore_mem>>
        %dma_start3A_29 = arith.constant 0 : i32
        %dma_start3A_30 = tpu.memref_slice %arg8[%scan3A_18, %dma_start3A_29] : memref<80x128xi32, #tpu.memory_space<vmem>> -> memref<1x128xi32, #tpu.memory_space<vmem>>
        %dma_start3A_31 = tpu.memref_squeeze %dma_start3A_30 : memref<1x128xi32, #tpu.memory_space<vmem>> -> memref<128xi32, #tpu.memory_space<vmem>>
        %dma_start3A_32 = arith.constant 0 : i32
        %dma_start3A_33 = arith.constant 0 : i32
        %dma_start3A_34 = tpu.memref_slice %arg10[%dma_start3A_32, %dma_start3A_33] : memref<10240x128xf32, #tpu.memory_space<vmem_shared>> -> memref<10240x128xf32, #tpu.memory_space<vmem_shared>>
        tpu.enqueue_indirect_dma source(%arg9 : memref<128x128xf32, #tpu.memory_space<vmem>>) target(%dma_start3A_34 : memref<10240x128xf32, #tpu.memory_space<vmem_shared>>) offsets(%dma_start3A_31 : memref<128xi32, #tpu.memory_space<vmem>>) semaphore(%run_scoped3A : memref<!tpu.dma_semaphore, #tpu.memory_space<semaphore_mem>>) {add = true}
        %dma_wait3A_35 = arith.constant 0 : i32
        %dma_wait3A_36 = tpu.memref_slice %arg8[%scan3A_18, %dma_wait3A_35] : memref<80x128xi32, #tpu.memory_space<vmem>> -> memref<1x128xi32, #tpu.memory_space<vmem>>
        %dma_wait3A_37 = tpu.memref_squeeze %dma_wait3A_36 : memref<1x128xi32, #tpu.memory_space<vmem>> -> memref<128xi32, #tpu.memory_space<vmem>>
        %dma_wait3A_38 = arith.constant 0 : i32
        %dma_wait3A_39 = arith.constant 0 : i32
        %dma_wait3A_40 = tpu.memref_slice %arg10[%dma_wait3A_38, %dma_wait3A_39] : memref<10240x128xf32, #tpu.memory_space<vmem_shared>> -> memref<10240x128xf32, #tpu.memory_space<vmem_shared>>
        tpu.wait_indirect_dma semaphore(%run_scoped3A : memref<!tpu.dma_semaphore, #tpu.memory_space<semaphore_mem>>) src(%arg9 : memref<128x128xf32, #tpu.memory_space<vmem>>) dst(%dma_wait3A_40 : memref<10240x128xf32, #tpu.memory_space<vmem_shared>>)
        tpu.yield
      }) : () -> ()
    }
    %scan3A_9 = arith.constant 80 : i32
    %barrier3A_10 = arith.constant 0 : index
    tpu.barrier barrier_id(%barrier3A_10)
    %mul3A_11 = arith.constant 640 : i32
    %mul3A_12 = arith.muli %arg1, %mul3A_11 : i32
    %mul3A_13 = arith.constant 10240 : i32
    %mul3A_14 = arith.muli %arg0, %mul3A_13 : i32
    %mul3A_15 = arith.constant 640 : i32
    %mul3A_16 = arith.muli %arg1, %mul3A_15 : i32
    %add3A_17 = arith.addi %mul3A_14, %mul3A_16 : i32
    "tpu.region"() ({
      %run_scoped3A = tpu.sem_alloc : memref<!tpu.dma_semaphore, #tpu.memory_space<semaphore_mem>>
      %dma_start3A = arith.constant 0 : i32
      %dma_start3A_18 = tpu.memref_slice %arg6[%add3A_17, %dma_start3A] : memref<20480x128xf32, #tpu.memory_space<hbm>> -> memref<640x128xf32, #tpu.memory_space<hbm>>
      %dma_start3A_19 = arith.constant 0 : i32
      %dma_start3A_20 = tpu.memref_slice %arg10[%mul3A_12, %dma_start3A_19] : memref<10240x128xf32, #tpu.memory_space<vmem_shared>> -> memref<640x128xf32, #tpu.memory_space<vmem_shared>>
      tpu.enqueue_dma source(%dma_start3A_20 : memref<640x128xf32, #tpu.memory_space<vmem_shared>>) target(%dma_start3A_18 : memref<640x128xf32, #tpu.memory_space<hbm>>) target_semaphore(%run_scoped3A : memref<!tpu.dma_semaphore, #tpu.memory_space<semaphore_mem>>)
      %dma_wait3A = arith.constant 0 : i32
      %dma_wait3A_21 = tpu.memref_slice %arg6[%add3A_17, %dma_wait3A] : memref<20480x128xf32, #tpu.memory_space<hbm>> -> memref<640x128xf32, #tpu.memory_space<hbm>>
      %dma_wait3A_22 = arith.constant 0 : i32
      %dma_wait3A_23 = tpu.memref_slice %arg10[%mul3A_12, %dma_wait3A_22] : memref<10240x128xf32, #tpu.memory_space<vmem_shared>> -> memref<640x128xf32, #tpu.memory_space<vmem_shared>>
      tpu.wait_dma2 semaphore(%run_scoped3A : memref<!tpu.dma_semaphore, #tpu.memory_space<semaphore_mem>>) src(%dma_wait3A_23 : memref<640x128xf32, #tpu.memory_space<vmem_shared>>) dst(%dma_wait3A_21 : memref<640x128xf32, #tpu.memory_space<hbm>>)
      tpu.yield
    }) : () -> ()
    return
  }
}

#map = affine_map<(d0, d1) -> (0, 0, 0)>
#map1 = affine_map<(d0, d1) -> (0)>
module attributes {stable_mosaic.version = 14 : i64} {
  func.func @deg_kernel(%arg0: i32, %arg1: i32, %arg2: memref<32x80x128xi32, #tpu.memory_space<hbm>>, %arg3: memref<20480xf32, #tpu.memory_space<hbm>>, %arg4: memref<80x128xi32, #tpu.memory_space<vmem>>, %arg5: memref<128xf32, #tpu.memory_space<vmem>>, %arg6: memref<640xf32, #tpu.memory_space<vmem>>, %arg7: memref<10240xf32, #tpu.memory_space<vmem_shared>>) attributes {dimension_semantics = [#tpu.dimension_semantics<core_parallel>, #tpu.dimension_semantics<subcore_parallel>], iteration_bounds = array<i64: 2, 16>, scalar_prefetch = 0 : i64, scratch_operands = 4 : i64, tpu.core_type = #tpu.core_type<sc_vector_subcore>, window_params = [{transform_indices = #map}, {transform_indices = #map1}]} {
    %broadcast_in_dim3A = arith.constant 1.000000e+00 : f32
    %broadcast_in_dim3A_0 = vector.broadcast %broadcast_in_dim3A : f32 to vector<16xf32>
    %swap3A = arith.constant 0 : index
    %swap3A_1 = tpu.vector_load %arg5[%swap3A] {strides = array<i32>} : memref<128xf32, #tpu.memory_space<vmem>>, vector<16xf32>,
    %swap3A_2 = vector.shape_cast %swap3A_1 : vector<16xf32> to vector<16xf32>
    %swap3A_3 = vector.shape_cast %broadcast_in_dim3A_0 : vector<16xf32> to vector<16xf32>
    tpu.vector_store %arg5[%swap3A], %swap3A_3 {strides = array<i32>} : memref<128xf32, #tpu.memory_space<vmem>>, vector<16xf32>,
    %broadcast_in_dim3A_4 = arith.constant 1.000000e+00 : f32
    %broadcast_in_dim3A_5 = vector.broadcast %broadcast_in_dim3A_4 : f32 to vector<16xf32>
    %swap3A_6 = arith.constant 16 : index
    %swap3A_7 = tpu.vector_load %arg5[%swap3A_6] {strides = array<i32>} : memref<128xf32, #tpu.memory_space<vmem>>, vector<16xf32>,
    %swap3A_8 = vector.shape_cast %swap3A_7 : vector<16xf32> to vector<16xf32>
    %swap3A_9 = vector.shape_cast %broadcast_in_dim3A_5 : vector<16xf32> to vector<16xf32>
    tpu.vector_store %arg5[%swap3A_6], %swap3A_9 {strides = array<i32>} : memref<128xf32, #tpu.memory_space<vmem>>, vector<16xf32>,
    %broadcast_in_dim3A_10 = arith.constant 1.000000e+00 : f32
    %broadcast_in_dim3A_11 = vector.broadcast %broadcast_in_dim3A_10 : f32 to vector<16xf32>
    %swap3A_12 = arith.constant 32 : index
    %swap3A_13 = tpu.vector_load %arg5[%swap3A_12] {strides = array<i32>} : memref<128xf32, #tpu.memory_space<vmem>>, vector<16xf32>,
    %swap3A_14 = vector.shape_cast %swap3A_13 : vector<16xf32> to vector<16xf32>
    %swap3A_15 = vector.shape_cast %broadcast_in_dim3A_11 : vector<16xf32> to vector<16xf32>
    tpu.vector_store %arg5[%swap3A_12], %swap3A_15 {strides = array<i32>} : memref<128xf32, #tpu.memory_space<vmem>>, vector<16xf32>,
    %broadcast_in_dim3A_16 = arith.constant 1.000000e+00 : f32
    %broadcast_in_dim3A_17 = vector.broadcast %broadcast_in_dim3A_16 : f32 to vector<16xf32>
    %swap3A_18 = arith.constant 48 : index
    %swap3A_19 = tpu.vector_load %arg5[%swap3A_18] {strides = array<i32>} : memref<128xf32, #tpu.memory_space<vmem>>, vector<16xf32>,
    %swap3A_20 = vector.shape_cast %swap3A_19 : vector<16xf32> to vector<16xf32>
    %swap3A_21 = vector.shape_cast %broadcast_in_dim3A_17 : vector<16xf32> to vector<16xf32>
    tpu.vector_store %arg5[%swap3A_18], %swap3A_21 {strides = array<i32>} : memref<128xf32, #tpu.memory_space<vmem>>, vector<16xf32>,
    %broadcast_in_dim3A_22 = arith.constant 1.000000e+00 : f32
    %broadcast_in_dim3A_23 = vector.broadcast %broadcast_in_dim3A_22 : f32 to vector<16xf32>
    %swap3A_24 = arith.constant 64 : index
    %swap3A_25 = tpu.vector_load %arg5[%swap3A_24] {strides = array<i32>} : memref<128xf32, #tpu.memory_space<vmem>>, vector<16xf32>,
    %swap3A_26 = vector.shape_cast %swap3A_25 : vector<16xf32> to vector<16xf32>
    %swap3A_27 = vector.shape_cast %broadcast_in_dim3A_23 : vector<16xf32> to vector<16xf32>
    tpu.vector_store %arg5[%swap3A_24], %swap3A_27 {strides = array<i32>} : memref<128xf32, #tpu.memory_space<vmem>>, vector<16xf32>,
    %broadcast_in_dim3A_28 = arith.constant 1.000000e+00 : f32
    %broadcast_in_dim3A_29 = vector.broadcast %broadcast_in_dim3A_28 : f32 to vector<16xf32>
    %swap3A_30 = arith.constant 80 : index
    %swap3A_31 = tpu.vector_load %arg5[%swap3A_30] {strides = array<i32>} : memref<128xf32, #tpu.memory_space<vmem>>, vector<16xf32>,
    %swap3A_32 = vector.shape_cast %swap3A_31 : vector<16xf32> to vector<16xf32>
    %swap3A_33 = vector.shape_cast %broadcast_in_dim3A_29 : vector<16xf32> to vector<16xf32>
    tpu.vector_store %arg5[%swap3A_30], %swap3A_33 {strides = array<i32>} : memref<128xf32, #tpu.memory_space<vmem>>, vector<16xf32>,
    %broadcast_in_dim3A_34 = arith.constant 1.000000e+00 : f32
    %broadcast_in_dim3A_35 = vector.broadcast %broadcast_in_dim3A_34 : f32 to vector<16xf32>
    %swap3A_36 = arith.constant 96 : index
    %swap3A_37 = tpu.vector_load %arg5[%swap3A_36] {strides = array<i32>} : memref<128xf32, #tpu.memory_space<vmem>>, vector<16xf32>,
    %swap3A_38 = vector.shape_cast %swap3A_37 : vector<16xf32> to vector<16xf32>
    %swap3A_39 = vector.shape_cast %broadcast_in_dim3A_35 : vector<16xf32> to vector<16xf32>
    tpu.vector_store %arg5[%swap3A_36], %swap3A_39 {strides = array<i32>} : memref<128xf32, #tpu.memory_space<vmem>>, vector<16xf32>,
    %broadcast_in_dim3A_40 = arith.constant 1.000000e+00 : f32
    %broadcast_in_dim3A_41 = vector.broadcast %broadcast_in_dim3A_40 : f32 to vector<16xf32>
    %swap3A_42 = arith.constant 112 : index
    %swap3A_43 = tpu.vector_load %arg5[%swap3A_42] {strides = array<i32>} : memref<128xf32, #tpu.memory_space<vmem>>, vector<16xf32>,
    %swap3A_44 = vector.shape_cast %swap3A_43 : vector<16xf32> to vector<16xf32>
    %swap3A_45 = vector.shape_cast %broadcast_in_dim3A_41 : vector<16xf32> to vector<16xf32>
    tpu.vector_store %arg5[%swap3A_42], %swap3A_45 {strides = array<i32>} : memref<128xf32, #tpu.memory_space<vmem>>, vector<16xf32>,
    %broadcast_in_dim3A_46 = arith.constant 0.000000e+00 : f32
    %broadcast_in_dim3A_47 = vector.broadcast %broadcast_in_dim3A_46 : f32 to vector<16xf32>
    %swap3A_48 = arith.constant 0 : index
    %swap3A_49 = tpu.vector_load %arg6[%swap3A_48] {strides = array<i32>} : memref<640xf32, #tpu.memory_space<vmem>>, vector<16xf32>,
    %swap3A_50 = vector.shape_cast %swap3A_49 : vector<16xf32> to vector<16xf32>
    %swap3A_51 = vector.shape_cast %broadcast_in_dim3A_47 : vector<16xf32> to vector<16xf32>
    tpu.vector_store %arg6[%swap3A_48], %swap3A_51 {strides = array<i32>} : memref<640xf32, #tpu.memory_space<vmem>>, vector<16xf32>,
    %broadcast_in_dim3A_52 = arith.constant 0.000000e+00 : f32
    %broadcast_in_dim3A_53 = vector.broadcast %broadcast_in_dim3A_52 : f32 to vector<16xf32>
    %swap3A_54 = arith.constant 16 : index
    %swap3A_55 = tpu.vector_load %arg6[%swap3A_54] {strides = array<i32>} : memref<640xf32, #tpu.memory_space<vmem>>, vector<16xf32>,
    %swap3A_56 = vector.shape_cast %swap3A_55 : vector<16xf32> to vector<16xf32>
    %swap3A_57 = vector.shape_cast %broadcast_in_dim3A_53 : vector<16xf32> to vector<16xf32>
    tpu.vector_store %arg6[%swap3A_54], %swap3A_57 {strides = array<i32>} : memref<640xf32, #tpu.memory_space<vmem>>, vector<16xf32>,
    %broadcast_in_dim3A_58 = arith.constant 0.000000e+00 : f32
    %broadcast_in_dim3A_59 = vector.broadcast %broadcast_in_dim3A_58 : f32 to vector<16xf32>
    %swap3A_60 = arith.constant 32 : index
    %swap3A_61 = tpu.vector_load %arg6[%swap3A_60] {strides = array<i32>} : memref<640xf32, #tpu.memory_space<vmem>>, vector<16xf32>,
    %swap3A_62 = vector.shape_cast %swap3A_61 : vector<16xf32> to vector<16xf32>
    %swap3A_63 = vector.shape_cast %broadcast_in_dim3A_59 : vector<16xf32> to vector<16xf32>
    tpu.vector_store %arg6[%swap3A_60], %swap3A_63 {strides = array<i32>} : memref<640xf32, #tpu.memory_space<vmem>>, vector<16xf32>,
    %broadcast_in_dim3A_64 = arith.constant 0.000000e+00 : f32
    %broadcast_in_dim3A_65 = vector.broadcast %broadcast_in_dim3A_64 : f32 to vector<16xf32>
    %swap3A_66 = arith.constant 48 : index
    %swap3A_67 = tpu.vector_load %arg6[%swap3A_66] {strides = array<i32>} : memref<640xf32, #tpu.memory_space<vmem>>, vector<16xf32>,
    %swap3A_68 = vector.shape_cast %swap3A_67 : vector<16xf32> to vector<16xf32>
    %swap3A_69 = vector.shape_cast %broadcast_in_dim3A_65 : vector<16xf32> to vector<16xf32>
    tpu.vector_store %arg6[%swap3A_66], %swap3A_69 {strides = array<i32>} : memref<640xf32, #tpu.memory_space<vmem>>, vector<16xf32>,
    %broadcast_in_dim3A_70 = arith.constant 0.000000e+00 : f32
    %broadcast_in_dim3A_71 = vector.broadcast %broadcast_in_dim3A_70 : f32 to vector<16xf32>
    %swap3A_72 = arith.constant 64 : index
    %swap3A_73 = tpu.vector_load %arg6[%swap3A_72] {strides = array<i32>} : memref<640xf32, #tpu.memory_space<vmem>>, vector<16xf32>,
    %swap3A_74 = vector.shape_cast %swap3A_73 : vector<16xf32> to vector<16xf32>
    %swap3A_75 = vector.shape_cast %broadcast_in_dim3A_71 : vector<16xf32> to vector<16xf32>
    tpu.vector_store %arg6[%swap3A_72], %swap3A_75 {strides = array<i32>} : memref<640xf32, #tpu.memory_space<vmem>>, vector<16xf32>,
    %broadcast_in_dim3A_76 = arith.constant 0.000000e+00 : f32
    %broadcast_in_dim3A_77 = vector.broadcast %broadcast_in_dim3A_76 : f32 to vector<16xf32>
    %swap3A_78 = arith.constant 80 : index
    %swap3A_79 = tpu.vector_load %arg6[%swap3A_78] {strides = array<i32>} : memref<640xf32, #tpu.memory_space<vmem>>, vector<16xf32>,
    %swap3A_80 = vector.shape_cast %swap3A_79 : vector<16xf32> to vector<16xf32>
    %swap3A_81 = vector.shape_cast %broadcast_in_dim3A_77 : vector<16xf32> to vector<16xf32>
    tpu.vector_store %arg6[%swap3A_78], %swap3A_81 {strides = array<i32>} : memref<640xf32, #tpu.memory_space<vmem>>, vector<16xf32>,
    %broadcast_in_dim3A_82 = arith.constant 0.000000e+00 : f32
    %broadcast_in_dim3A_83 = vector.broadcast %broadcast_in_dim3A_82 : f32 to vector<16xf32>
    %swap3A_84 = arith.constant 96 : index
    %swap3A_85 = tpu.vector_load %arg6[%swap3A_84] {strides = array<i32>} : memref<640xf32, #tpu.memory_space<vmem>>, vector<16xf32>,
    %swap3A_86 = vector.shape_cast %swap3A_85 : vector<16xf32> to vector<16xf32>
    %swap3A_87 = vector.shape_cast %broadcast_in_dim3A_83 : vector<16xf32> to vector<16xf32>
    tpu.vector_store %arg6[%swap3A_84], %swap3A_87 {strides = array<i32>} : memref<640xf32, #tpu.memory_space<vmem>>, vector<16xf32>,
    %broadcast_in_dim3A_88 = arith.constant 0.000000e+00 : f32
    %broadcast_in_dim3A_89 = vector.broadcast %broadcast_in_dim3A_88 : f32 to vector<16xf32>
    %swap3A_90 = arith.constant 112 : index
    %swap3A_91 = tpu.vector_load %arg6[%swap3A_90] {strides = array<i32>} : memref<640xf32, #tpu.memory_space<vmem>>, vector<16xf32>,
    %swap3A_92 = vector.shape_cast %swap3A_91 : vector<16xf32> to vector<16xf32>
    %swap3A_93 = vector.shape_cast %broadcast_in_dim3A_89 : vector<16xf32> to vector<16xf32>
    tpu.vector_store %arg6[%swap3A_90], %swap3A_93 {strides = array<i32>} : memref<640xf32, #tpu.memory_space<vmem>>, vector<16xf32>,
    %broadcast_in_dim3A_94 = arith.constant 0.000000e+00 : f32
    %broadcast_in_dim3A_95 = vector.broadcast %broadcast_in_dim3A_94 : f32 to vector<16xf32>
    %swap3A_96 = arith.constant 128 : index
    %swap3A_97 = tpu.vector_load %arg6[%swap3A_96] {strides = array<i32>} : memref<640xf32, #tpu.memory_space<vmem>>, vector<16xf32>,
    %swap3A_98 = vector.shape_cast %swap3A_97 : vector<16xf32> to vector<16xf32>
    %swap3A_99 = vector.shape_cast %broadcast_in_dim3A_95 : vector<16xf32> to vector<16xf32>
    tpu.vector_store %arg6[%swap3A_96], %swap3A_99 {strides = array<i32>} : memref<640xf32, #tpu.memory_space<vmem>>, vector<16xf32>,
    %broadcast_in_dim3A_100 = arith.constant 0.000000e+00 : f32
    %broadcast_in_dim3A_101 = vector.broadcast %broadcast_in_dim3A_100 : f32 to vector<16xf32>
    %swap3A_102 = arith.constant 144 : index
    %swap3A_103 = tpu.vector_load %arg6[%swap3A_102] {strides = array<i32>} : memref<640xf32, #tpu.memory_space<vmem>>, vector<16xf32>,
    %swap3A_104 = vector.shape_cast %swap3A_103 : vector<16xf32> to vector<16xf32>
    %swap3A_105 = vector.shape_cast %broadcast_in_dim3A_101 : vector<16xf32> to vector<16xf32>
    tpu.vector_store %arg6[%swap3A_102], %swap3A_105 {strides = array<i32>} : memref<640xf32, #tpu.memory_space<vmem>>, vector<16xf32>,
    %broadcast_in_dim3A_106 = arith.constant 0.000000e+00 : f32
    %broadcast_in_dim3A_107 = vector.broadcast %broadcast_in_dim3A_106 : f32 to vector<16xf32>
    %swap3A_108 = arith.constant 160 : index
    %swap3A_109 = tpu.vector_load %arg6[%swap3A_108] {strides = array<i32>} : memref<640xf32, #tpu.memory_space<vmem>>, vector<16xf32>,
    %swap3A_110 = vector.shape_cast %swap3A_109 : vector<16xf32> to vector<16xf32>
    %swap3A_111 = vector.shape_cast %broadcast_in_dim3A_107 : vector<16xf32> to vector<16xf32>
    tpu.vector_store %arg6[%swap3A_108], %swap3A_111 {strides = array<i32>} : memref<640xf32, #tpu.memory_space<vmem>>, vector<16xf32>,
    %broadcast_in_dim3A_112 = arith.constant 0.000000e+00 : f32
    %broadcast_in_dim3A_113 = vector.broadcast %broadcast_in_dim3A_112 : f32 to vector<16xf32>
    %swap3A_114 = arith.constant 176 : index
    %swap3A_115 = tpu.vector_load %arg6[%swap3A_114] {strides = array<i32>} : memref<640xf32, #tpu.memory_space<vmem>>, vector<16xf32>,
    %swap3A_116 = vector.shape_cast %swap3A_115 : vector<16xf32> to vector<16xf32>
    %swap3A_117 = vector.shape_cast %broadcast_in_dim3A_113 : vector<16xf32> to vector<16xf32>
    tpu.vector_store %arg6[%swap3A_114], %swap3A_117 {strides = array<i32>} : memref<640xf32, #tpu.memory_space<vmem>>, vector<16xf32>,
    %broadcast_in_dim3A_118 = arith.constant 0.000000e+00 : f32
    %broadcast_in_dim3A_119 = vector.broadcast %broadcast_in_dim3A_118 : f32 to vector<16xf32>
    %swap3A_120 = arith.constant 192 : index
    %swap3A_121 = tpu.vector_load %arg6[%swap3A_120] {strides = array<i32>} : memref<640xf32, #tpu.memory_space<vmem>>, vector<16xf32>,
    %swap3A_122 = vector.shape_cast %swap3A_121 : vector<16xf32> to vector<16xf32>
    %swap3A_123 = vector.shape_cast %broadcast_in_dim3A_119 : vector<16xf32> to vector<16xf32>
    tpu.vector_store %arg6[%swap3A_120], %swap3A_123 {strides = array<i32>} : memref<640xf32, #tpu.memory_space<vmem>>, vector<16xf32>,
    %broadcast_in_dim3A_124 = arith.constant 0.000000e+00 : f32
    %broadcast_in_dim3A_125 = vector.broadcast %broadcast_in_dim3A_124 : f32 to vector<16xf32>
    %swap3A_126 = arith.constant 208 : index
    %swap3A_127 = tpu.vector_load %arg6[%swap3A_126] {strides = array<i32>} : memref<640xf32, #tpu.memory_space<vmem>>, vector<16xf32>,
    %swap3A_128 = vector.shape_cast %swap3A_127 : vector<16xf32> to vector<16xf32>
    %swap3A_129 = vector.shape_cast %broadcast_in_dim3A_125 : vector<16xf32> to vector<16xf32>
    tpu.vector_store %arg6[%swap3A_126], %swap3A_129 {strides = array<i32>} : memref<640xf32, #tpu.memory_space<vmem>>, vector<16xf32>,
    %broadcast_in_dim3A_130 = arith.constant 0.000000e+00 : f32
    %broadcast_in_dim3A_131 = vector.broadcast %broadcast_in_dim3A_130 : f32 to vector<16xf32>
    %swap3A_132 = arith.constant 224 : index
    %swap3A_133 = tpu.vector_load %arg6[%swap3A_132] {strides = array<i32>} : memref<640xf32, #tpu.memory_space<vmem>>, vector<16xf32>,
    %swap3A_134 = vector.shape_cast %swap3A_133 : vector<16xf32> to vector<16xf32>
    %swap3A_135 = vector.shape_cast %broadcast_in_dim3A_131 : vector<16xf32> to vector<16xf32>
    tpu.vector_store %arg6[%swap3A_132], %swap3A_135 {strides = array<i32>} : memref<640xf32, #tpu.memory_space<vmem>>, vector<16xf32>,
    %broadcast_in_dim3A_136 = arith.constant 0.000000e+00 : f32
    %broadcast_in_dim3A_137 = vector.broadcast %broadcast_in_dim3A_136 : f32 to vector<16xf32>
    %swap3A_138 = arith.constant 240 : index
    %swap3A_139 = tpu.vector_load %arg6[%swap3A_138] {strides = array<i32>} : memref<640xf32, #tpu.memory_space<vmem>>, vector<16xf32>,
    %swap3A_140 = vector.shape_cast %swap3A_139 : vector<16xf32> to vector<16xf32>
    %swap3A_141 = vector.shape_cast %broadcast_in_dim3A_137 : vector<16xf32> to vector<16xf32>
    tpu.vector_store %arg6[%swap3A_138], %swap3A_141 {strides = array<i32>} : memref<640xf32, #tpu.memory_space<vmem>>, vector<16xf32>,
    %broadcast_in_dim3A_142 = arith.constant 0.000000e+00 : f32
    %broadcast_in_dim3A_143 = vector.broadcast %broadcast_in_dim3A_142 : f32 to vector<16xf32>
    %swap3A_144 = arith.constant 256 : index
    %swap3A_145 = tpu.vector_load %arg6[%swap3A_144] {strides = array<i32>} : memref<640xf32, #tpu.memory_space<vmem>>, vector<16xf32>,
    %swap3A_146 = vector.shape_cast %swap3A_145 : vector<16xf32> to vector<16xf32>
    %swap3A_147 = vector.shape_cast %broadcast_in_dim3A_143 : vector<16xf32> to vector<16xf32>
    tpu.vector_store %arg6[%swap3A_144], %swap3A_147 {strides = array<i32>} : memref<640xf32, #tpu.memory_space<vmem>>, vector<16xf32>,
    %broadcast_in_dim3A_148 = arith.constant 0.000000e+00 : f32
    %broadcast_in_dim3A_149 = vector.broadcast %broadcast_in_dim3A_148 : f32 to vector<16xf32>
    %swap3A_150 = arith.constant 272 : index
    %swap3A_151 = tpu.vector_load %arg6[%swap3A_150] {strides = array<i32>} : memref<640xf32, #tpu.memory_space<vmem>>, vector<16xf32>,
    %swap3A_152 = vector.shape_cast %swap3A_151 : vector<16xf32> to vector<16xf32>
    %swap3A_153 = vector.shape_cast %broadcast_in_dim3A_149 : vector<16xf32> to vector<16xf32>
    tpu.vector_store %arg6[%swap3A_150], %swap3A_153 {strides = array<i32>} : memref<640xf32, #tpu.memory_space<vmem>>, vector<16xf32>,
    %broadcast_in_dim3A_154 = arith.constant 0.000000e+00 : f32
    %broadcast_in_dim3A_155 = vector.broadcast %broadcast_in_dim3A_154 : f32 to vector<16xf32>
    %swap3A_156 = arith.constant 288 : index
    %swap3A_157 = tpu.vector_load %arg6[%swap3A_156] {strides = array<i32>} : memref<640xf32, #tpu.memory_space<vmem>>, vector<16xf32>,
    %swap3A_158 = vector.shape_cast %swap3A_157 : vector<16xf32> to vector<16xf32>
    %swap3A_159 = vector.shape_cast %broadcast_in_dim3A_155 : vector<16xf32> to vector<16xf32>
    tpu.vector_store %arg6[%swap3A_156], %swap3A_159 {strides = array<i32>} : memref<640xf32, #tpu.memory_space<vmem>>, vector<16xf32>,
    %broadcast_in_dim3A_160 = arith.constant 0.000000e+00 : f32
    %broadcast_in_dim3A_161 = vector.broadcast %broadcast_in_dim3A_160 : f32 to vector<16xf32>
    %swap3A_162 = arith.constant 304 : index
    %swap3A_163 = tpu.vector_load %arg6[%swap3A_162] {strides = array<i32>} : memref<640xf32, #tpu.memory_space<vmem>>, vector<16xf32>,
    %swap3A_164 = vector.shape_cast %swap3A_163 : vector<16xf32> to vector<16xf32>
    %swap3A_165 = vector.shape_cast %broadcast_in_dim3A_161 : vector<16xf32> to vector<16xf32>
    tpu.vector_store %arg6[%swap3A_162], %swap3A_165 {strides = array<i32>} : memref<640xf32, #tpu.memory_space<vmem>>, vector<16xf32>,
    %broadcast_in_dim3A_166 = arith.constant 0.000000e+00 : f32
    %broadcast_in_dim3A_167 = vector.broadcast %broadcast_in_dim3A_166 : f32 to vector<16xf32>
    %swap3A_168 = arith.constant 320 : index
    %swap3A_169 = tpu.vector_load %arg6[%swap3A_168] {strides = array<i32>} : memref<640xf32, #tpu.memory_space<vmem>>, vector<16xf32>,
    %swap3A_170 = vector.shape_cast %swap3A_169 : vector<16xf32> to vector<16xf32>
    %swap3A_171 = vector.shape_cast %broadcast_in_dim3A_167 : vector<16xf32> to vector<16xf32>
    tpu.vector_store %arg6[%swap3A_168], %swap3A_171 {strides = array<i32>} : memref<640xf32, #tpu.memory_space<vmem>>, vector<16xf32>,
    %broadcast_in_dim3A_172 = arith.constant 0.000000e+00 : f32
    %broadcast_in_dim3A_173 = vector.broadcast %broadcast_in_dim3A_172 : f32 to vector<16xf32>
    %swap3A_174 = arith.constant 336 : index
    %swap3A_175 = tpu.vector_load %arg6[%swap3A_174] {strides = array<i32>} : memref<640xf32, #tpu.memory_space<vmem>>, vector<16xf32>,
    %swap3A_176 = vector.shape_cast %swap3A_175 : vector<16xf32> to vector<16xf32>
    %swap3A_177 = vector.shape_cast %broadcast_in_dim3A_173 : vector<16xf32> to vector<16xf32>
    tpu.vector_store %arg6[%swap3A_174], %swap3A_177 {strides = array<i32>} : memref<640xf32, #tpu.memory_space<vmem>>, vector<16xf32>,
    %broadcast_in_dim3A_178 = arith.constant 0.000000e+00 : f32
    %broadcast_in_dim3A_179 = vector.broadcast %broadcast_in_dim3A_178 : f32 to vector<16xf32>
    %swap3A_180 = arith.constant 352 : index
    %swap3A_181 = tpu.vector_load %arg6[%swap3A_180] {strides = array<i32>} : memref<640xf32, #tpu.memory_space<vmem>>, vector<16xf32>,
    %swap3A_182 = vector.shape_cast %swap3A_181 : vector<16xf32> to vector<16xf32>
    %swap3A_183 = vector.shape_cast %broadcast_in_dim3A_179 : vector<16xf32> to vector<16xf32>
    tpu.vector_store %arg6[%swap3A_180], %swap3A_183 {strides = array<i32>} : memref<640xf32, #tpu.memory_space<vmem>>, vector<16xf32>,
    %broadcast_in_dim3A_184 = arith.constant 0.000000e+00 : f32
    %broadcast_in_dim3A_185 = vector.broadcast %broadcast_in_dim3A_184 : f32 to vector<16xf32>
    %swap3A_186 = arith.constant 368 : index
    %swap3A_187 = tpu.vector_load %arg6[%swap3A_186] {strides = array<i32>} : memref<640xf32, #tpu.memory_space<vmem>>, vector<16xf32>,
    %swap3A_188 = vector.shape_cast %swap3A_187 : vector<16xf32> to vector<16xf32>
    %swap3A_189 = vector.shape_cast %broadcast_in_dim3A_185 : vector<16xf32> to vector<16xf32>
    tpu.vector_store %arg6[%swap3A_186], %swap3A_189 {strides = array<i32>} : memref<640xf32, #tpu.memory_space<vmem>>, vector<16xf32>,
    %broadcast_in_dim3A_190 = arith.constant 0.000000e+00 : f32
    %broadcast_in_dim3A_191 = vector.broadcast %broadcast_in_dim3A_190 : f32 to vector<16xf32>
    %swap3A_192 = arith.constant 384 : index
    %swap3A_193 = tpu.vector_load %arg6[%swap3A_192] {strides = array<i32>} : memref<640xf32, #tpu.memory_space<vmem>>, vector<16xf32>,
    %swap3A_194 = vector.shape_cast %swap3A_193 : vector<16xf32> to vector<16xf32>
    %swap3A_195 = vector.shape_cast %broadcast_in_dim3A_191 : vector<16xf32> to vector<16xf32>
    tpu.vector_store %arg6[%swap3A_192], %swap3A_195 {strides = array<i32>} : memref<640xf32, #tpu.memory_space<vmem>>, vector<16xf32>,
    %broadcast_in_dim3A_196 = arith.constant 0.000000e+00 : f32
    %broadcast_in_dim3A_197 = vector.broadcast %broadcast_in_dim3A_196 : f32 to vector<16xf32>
    %swap3A_198 = arith.constant 400 : index
    %swap3A_199 = tpu.vector_load %arg6[%swap3A_198] {strides = array<i32>} : memref<640xf32, #tpu.memory_space<vmem>>, vector<16xf32>,
    %swap3A_200 = vector.shape_cast %swap3A_199 : vector<16xf32> to vector<16xf32>
    %swap3A_201 = vector.shape_cast %broadcast_in_dim3A_197 : vector<16xf32> to vector<16xf32>
    tpu.vector_store %arg6[%swap3A_198], %swap3A_201 {strides = array<i32>} : memref<640xf32, #tpu.memory_space<vmem>>, vector<16xf32>,
    %broadcast_in_dim3A_202 = arith.constant 0.000000e+00 : f32
    %broadcast_in_dim3A_203 = vector.broadcast %broadcast_in_dim3A_202 : f32 to vector<16xf32>
    %swap3A_204 = arith.constant 416 : index
    %swap3A_205 = tpu.vector_load %arg6[%swap3A_204] {strides = array<i32>} : memref<640xf32, #tpu.memory_space<vmem>>, vector<16xf32>,
    %swap3A_206 = vector.shape_cast %swap3A_205 : vector<16xf32> to vector<16xf32>
    %swap3A_207 = vector.shape_cast %broadcast_in_dim3A_203 : vector<16xf32> to vector<16xf32>
    tpu.vector_store %arg6[%swap3A_204], %swap3A_207 {strides = array<i32>} : memref<640xf32, #tpu.memory_space<vmem>>, vector<16xf32>,
    %broadcast_in_dim3A_208 = arith.constant 0.000000e+00 : f32
    %broadcast_in_dim3A_209 = vector.broadcast %broadcast_in_dim3A_208 : f32 to vector<16xf32>
    %swap3A_210 = arith.constant 432 : index
    %swap3A_211 = tpu.vector_load %arg6[%swap3A_210] {strides = array<i32>} : memref<640xf32, #tpu.memory_space<vmem>>, vector<16xf32>,
    %swap3A_212 = vector.shape_cast %swap3A_211 : vector<16xf32> to vector<16xf32>
    %swap3A_213 = vector.shape_cast %broadcast_in_dim3A_209 : vector<16xf32> to vector<16xf32>
    tpu.vector_store %arg6[%swap3A_210], %swap3A_213 {strides = array<i32>} : memref<640xf32, #tpu.memory_space<vmem>>, vector<16xf32>,
    %broadcast_in_dim3A_214 = arith.constant 0.000000e+00 : f32
    %broadcast_in_dim3A_215 = vector.broadcast %broadcast_in_dim3A_214 : f32 to vector<16xf32>
    %swap3A_216 = arith.constant 448 : index
    %swap3A_217 = tpu.vector_load %arg6[%swap3A_216] {strides = array<i32>} : memref<640xf32, #tpu.memory_space<vmem>>, vector<16xf32>,
    %swap3A_218 = vector.shape_cast %swap3A_217 : vector<16xf32> to vector<16xf32>
    %swap3A_219 = vector.shape_cast %broadcast_in_dim3A_215 : vector<16xf32> to vector<16xf32>
    tpu.vector_store %arg6[%swap3A_216], %swap3A_219 {strides = array<i32>} : memref<640xf32, #tpu.memory_space<vmem>>, vector<16xf32>,
    %broadcast_in_dim3A_220 = arith.constant 0.000000e+00 : f32
    %broadcast_in_dim3A_221 = vector.broadcast %broadcast_in_dim3A_220 : f32 to vector<16xf32>
    %swap3A_222 = arith.constant 464 : index
    %swap3A_223 = tpu.vector_load %arg6[%swap3A_222] {strides = array<i32>} : memref<640xf32, #tpu.memory_space<vmem>>, vector<16xf32>,
    %swap3A_224 = vector.shape_cast %swap3A_223 : vector<16xf32> to vector<16xf32>
    %swap3A_225 = vector.shape_cast %broadcast_in_dim3A_221 : vector<16xf32> to vector<16xf32>
    tpu.vector_store %arg6[%swap3A_222], %swap3A_225 {strides = array<i32>} : memref<640xf32, #tpu.memory_space<vmem>>, vector<16xf32>,
    %broadcast_in_dim3A_226 = arith.constant 0.000000e+00 : f32
    %broadcast_in_dim3A_227 = vector.broadcast %broadcast_in_dim3A_226 : f32 to vector<16xf32>
    %swap3A_228 = arith.constant 480 : index
    %swap3A_229 = tpu.vector_load %arg6[%swap3A_228] {strides = array<i32>} : memref<640xf32, #tpu.memory_space<vmem>>, vector<16xf32>,
    %swap3A_230 = vector.shape_cast %swap3A_229 : vector<16xf32> to vector<16xf32>
    %swap3A_231 = vector.shape_cast %broadcast_in_dim3A_227 : vector<16xf32> to vector<16xf32>
    tpu.vector_store %arg6[%swap3A_228], %swap3A_231 {strides = array<i32>} : memref<640xf32, #tpu.memory_space<vmem>>, vector<16xf32>,
    %broadcast_in_dim3A_232 = arith.constant 0.000000e+00 : f32
    %broadcast_in_dim3A_233 = vector.broadcast %broadcast_in_dim3A_232 : f32 to vector<16xf32>
    %swap3A_234 = arith.constant 496 : index
    %swap3A_235 = tpu.vector_load %arg6[%swap3A_234] {strides = array<i32>} : memref<640xf32, #tpu.memory_space<vmem>>, vector<16xf32>,
    %swap3A_236 = vector.shape_cast %swap3A_235 : vector<16xf32> to vector<16xf32>
    %swap3A_237 = vector.shape_cast %broadcast_in_dim3A_233 : vector<16xf32> to vector<16xf32>
    tpu.vector_store %arg6[%swap3A_234], %swap3A_237 {strides = array<i32>} : memref<640xf32, #tpu.memory_space<vmem>>, vector<16xf32>,
    %broadcast_in_dim3A_238 = arith.constant 0.000000e+00 : f32
    %broadcast_in_dim3A_239 = vector.broadcast %broadcast_in_dim3A_238 : f32 to vector<16xf32>
    %swap3A_240 = arith.constant 512 : index
    %swap3A_241 = tpu.vector_load %arg6[%swap3A_240] {strides = array<i32>} : memref<640xf32, #tpu.memory_space<vmem>>, vector<16xf32>,
    %swap3A_242 = vector.shape_cast %swap3A_241 : vector<16xf32> to vector<16xf32>
    %swap3A_243 = vector.shape_cast %broadcast_in_dim3A_239 : vector<16xf32> to vector<16xf32>
    tpu.vector_store %arg6[%swap3A_240], %swap3A_243 {strides = array<i32>} : memref<640xf32, #tpu.memory_space<vmem>>, vector<16xf32>,
    %broadcast_in_dim3A_244 = arith.constant 0.000000e+00 : f32
    %broadcast_in_dim3A_245 = vector.broadcast %broadcast_in_dim3A_244 : f32 to vector<16xf32>
    %swap3A_246 = arith.constant 528 : index
    %swap3A_247 = tpu.vector_load %arg6[%swap3A_246] {strides = array<i32>} : memref<640xf32, #tpu.memory_space<vmem>>, vector<16xf32>,
    %swap3A_248 = vector.shape_cast %swap3A_247 : vector<16xf32> to vector<16xf32>
    %swap3A_249 = vector.shape_cast %broadcast_in_dim3A_245 : vector<16xf32> to vector<16xf32>
    tpu.vector_store %arg6[%swap3A_246], %swap3A_249 {strides = array<i32>} : memref<640xf32, #tpu.memory_space<vmem>>, vector<16xf32>,
    %broadcast_in_dim3A_250 = arith.constant 0.000000e+00 : f32
    %broadcast_in_dim3A_251 = vector.broadcast %broadcast_in_dim3A_250 : f32 to vector<16xf32>
    %swap3A_252 = arith.constant 544 : index
    %swap3A_253 = tpu.vector_load %arg6[%swap3A_252] {strides = array<i32>} : memref<640xf32, #tpu.memory_space<vmem>>, vector<16xf32>,
    %swap3A_254 = vector.shape_cast %swap3A_253 : vector<16xf32> to vector<16xf32>
    %swap3A_255 = vector.shape_cast %broadcast_in_dim3A_251 : vector<16xf32> to vector<16xf32>
    tpu.vector_store %arg6[%swap3A_252], %swap3A_255 {strides = array<i32>} : memref<640xf32, #tpu.memory_space<vmem>>, vector<16xf32>,
    %broadcast_in_dim3A_256 = arith.constant 0.000000e+00 : f32
    %broadcast_in_dim3A_257 = vector.broadcast %broadcast_in_dim3A_256 : f32 to vector<16xf32>
    %swap3A_258 = arith.constant 560 : index
    %swap3A_259 = tpu.vector_load %arg6[%swap3A_258] {strides = array<i32>} : memref<640xf32, #tpu.memory_space<vmem>>, vector<16xf32>,
    %swap3A_260 = vector.shape_cast %swap3A_259 : vector<16xf32> to vector<16xf32>
    %swap3A_261 = vector.shape_cast %broadcast_in_dim3A_257 : vector<16xf32> to vector<16xf32>
    tpu.vector_store %arg6[%swap3A_258], %swap3A_261 {strides = array<i32>} : memref<640xf32, #tpu.memory_space<vmem>>, vector<16xf32>,
    %broadcast_in_dim3A_262 = arith.constant 0.000000e+00 : f32
    %broadcast_in_dim3A_263 = vector.broadcast %broadcast_in_dim3A_262 : f32 to vector<16xf32>
    %swap3A_264 = arith.constant 576 : index
    %swap3A_265 = tpu.vector_load %arg6[%swap3A_264] {strides = array<i32>} : memref<640xf32, #tpu.memory_space<vmem>>, vector<16xf32>,
    %swap3A_266 = vector.shape_cast %swap3A_265 : vector<16xf32> to vector<16xf32>
    %swap3A_267 = vector.shape_cast %broadcast_in_dim3A_263 : vector<16xf32> to vector<16xf32>
    tpu.vector_store %arg6[%swap3A_264], %swap3A_267 {strides = array<i32>} : memref<640xf32, #tpu.memory_space<vmem>>, vector<16xf32>,
    %broadcast_in_dim3A_268 = arith.constant 0.000000e+00 : f32
    %broadcast_in_dim3A_269 = vector.broadcast %broadcast_in_dim3A_268 : f32 to vector<16xf32>
    %swap3A_270 = arith.constant 592 : index
    %swap3A_271 = tpu.vector_load %arg6[%swap3A_270] {strides = array<i32>} : memref<640xf32, #tpu.memory_space<vmem>>, vector<16xf32>,
    %swap3A_272 = vector.shape_cast %swap3A_271 : vector<16xf32> to vector<16xf32>
    %swap3A_273 = vector.shape_cast %broadcast_in_dim3A_269 : vector<16xf32> to vector<16xf32>
    tpu.vector_store %arg6[%swap3A_270], %swap3A_273 {strides = array<i32>} : memref<640xf32, #tpu.memory_space<vmem>>, vector<16xf32>,
    %broadcast_in_dim3A_274 = arith.constant 0.000000e+00 : f32
    %broadcast_in_dim3A_275 = vector.broadcast %broadcast_in_dim3A_274 : f32 to vector<16xf32>
    %swap3A_276 = arith.constant 608 : index
    %swap3A_277 = tpu.vector_load %arg6[%swap3A_276] {strides = array<i32>} : memref<640xf32, #tpu.memory_space<vmem>>, vector<16xf32>,
    %swap3A_278 = vector.shape_cast %swap3A_277 : vector<16xf32> to vector<16xf32>
    %swap3A_279 = vector.shape_cast %broadcast_in_dim3A_275 : vector<16xf32> to vector<16xf32>
    tpu.vector_store %arg6[%swap3A_276], %swap3A_279 {strides = array<i32>} : memref<640xf32, #tpu.memory_space<vmem>>, vector<16xf32>,
    %broadcast_in_dim3A_280 = arith.constant 0.000000e+00 : f32
    %broadcast_in_dim3A_281 = vector.broadcast %broadcast_in_dim3A_280 : f32 to vector<16xf32>
    %swap3A_282 = arith.constant 624 : index
    %swap3A_283 = tpu.vector_load %arg6[%swap3A_282] {strides = array<i32>} : memref<640xf32, #tpu.memory_space<vmem>>, vector<16xf32>,
    %swap3A_284 = vector.shape_cast %swap3A_283 : vector<16xf32> to vector<16xf32>
    %swap3A_285 = vector.shape_cast %broadcast_in_dim3A_281 : vector<16xf32> to vector<16xf32>
    tpu.vector_store %arg6[%swap3A_282], %swap3A_285 {strides = array<i32>} : memref<640xf32, #tpu.memory_space<vmem>>, vector<16xf32>,
    %mul3A = arith.constant 640 : i32
    %mul3A_286 = arith.muli %arg1, %mul3A : i32
    "tpu.region"() ({
      %run_scoped3A = tpu.sem_alloc : memref<!tpu.dma_semaphore, #tpu.memory_space<semaphore_mem>>
      %dma_start3A = tpu.memref_slice %arg7[%mul3A_286] : memref<10240xf32, #tpu.memory_space<vmem_shared>> -> memref<640xf32, #tpu.memory_space<vmem_shared>>
      %dma_start3A_302 = tpu.memref_slice %arg7[%mul3A_286] : memref<10240xf32, #tpu.memory_space<vmem_shared>> -> memref<640xf32, #tpu.memory_space<vmem_shared>>
      tpu.enqueue_dma source(%arg6 : memref<640xf32, #tpu.memory_space<vmem>>) target(%dma_start3A_302 : memref<640xf32, #tpu.memory_space<vmem_shared>>) target_semaphore(%run_scoped3A : memref<!tpu.dma_semaphore, #tpu.memory_space<semaphore_mem>>)
      %dma_wait3A = tpu.memref_slice %arg7[%mul3A_286] : memref<10240xf32, #tpu.memory_space<vmem_shared>> -> memref<640xf32, #tpu.memory_space<vmem_shared>>
      %dma_wait3A_303 = tpu.memref_slice %arg7[%mul3A_286] : memref<10240xf32, #tpu.memory_space<vmem_shared>> -> memref<640xf32, #tpu.memory_space<vmem_shared>>
      tpu.wait_dma2 semaphore(%run_scoped3A : memref<!tpu.dma_semaphore, #tpu.memory_space<semaphore_mem>>) src(%arg6 : memref<640xf32, #tpu.memory_space<vmem>>) dst(%dma_wait3A_303 : memref<640xf32, #tpu.memory_space<vmem_shared>>)
      tpu.yield
    }) : () -> ()
    %mul3A_287 = arith.constant 16 : i32
    %mul3A_288 = arith.muli %arg0, %mul3A_287 : i32
    %add3A = arith.addi %mul3A_288, %arg1 : i32
    "tpu.region"() ({
      %run_scoped3A = tpu.sem_alloc : memref<!tpu.dma_semaphore, #tpu.memory_space<semaphore_mem>>
      %dma_start3A = arith.constant 0 : i32
      %dma_start3A_302 = arith.constant 0 : i32
      %dma_start3A_303 = tpu.memref_slice %arg2[%add3A, %dma_start3A, %dma_start3A_302] : memref<32x80x128xi32, #tpu.memory_space<hbm>> -> memref<1x80x128xi32, #tpu.memory_space<hbm>>
      %dma_start3A_304 = tpu.memref_squeeze %dma_start3A_303 : memref<1x80x128xi32, #tpu.memory_space<hbm>> -> memref<80x128xi32, #tpu.memory_space<hbm>>
      %dma_start3A_305 = arith.constant 0 : i32
      %dma_start3A_306 = arith.constant 0 : i32
      %dma_start3A_307 = tpu.memref_slice %arg2[%add3A, %dma_start3A_305, %dma_start3A_306] : memref<32x80x128xi32, #tpu.memory_space<hbm>> -> memref<1x80x128xi32, #tpu.memory_space<hbm>>
      %dma_start3A_308 = tpu.memref_squeeze %dma_start3A_307 : memref<1x80x128xi32, #tpu.memory_space<hbm>> -> memref<80x128xi32, #tpu.memory_space<hbm>>
      tpu.enqueue_dma source(%dma_start3A_308 : memref<80x128xi32, #tpu.memory_space<hbm>>) target(%arg4 : memref<80x128xi32, #tpu.memory_space<vmem>>) target_semaphore(%run_scoped3A : memref<!tpu.dma_semaphore, #tpu.memory_space<semaphore_mem>>)
      %dma_wait3A = arith.constant 0 : i32
      %dma_wait3A_309 = arith.constant 0 : i32
      %dma_wait3A_310 = tpu.memref_slice %arg2[%add3A, %dma_wait3A, %dma_wait3A_309] : memref<32x80x128xi32, #tpu.memory_space<hbm>> -> memref<1x80x128xi32, #tpu.memory_space<hbm>>
      %dma_wait3A_311 = tpu.memref_squeeze %dma_wait3A_310 : memref<1x80x128xi32, #tpu.memory_space<hbm>> -> memref<80x128xi32, #tpu.memory_space<hbm>>
      %dma_wait3A_312 = arith.constant 0 : i32
      %dma_wait3A_313 = arith.constant 0 : i32
      %dma_wait3A_314 = tpu.memref_slice %arg2[%add3A, %dma_wait3A_312, %dma_wait3A_313] : memref<32x80x128xi32, #tpu.memory_space<hbm>> -> memref<1x80x128xi32, #tpu.memory_space<hbm>>
      %dma_wait3A_315 = tpu.memref_squeeze %dma_wait3A_314 : memref<1x80x128xi32, #tpu.memory_space<hbm>> -> memref<80x128xi32, #tpu.memory_space<hbm>>
      tpu.wait_dma2 semaphore(%run_scoped3A : memref<!tpu.dma_semaphore, #tpu.memory_space<semaphore_mem>>) src(%dma_wait3A_315 : memref<80x128xi32, #tpu.memory_space<hbm>>) dst(%arg4 : memref<80x128xi32, #tpu.memory_space<vmem>>)
      tpu.yield
    }) : () -> ()
    %barrier3A = arith.constant 0 : index
    tpu.barrier barrier_id(%barrier3A)
    %scan3A = arith.constant 0 : i32
    %scan3A_289 = arith.constant 0 : i32
    %scan3A_290 = arith.constant 80 : i32
    %scan3A_291 = arith.addi %scan3A_289, %scan3A_290 : i32
    %scan3A_292 = arith.constant 1 : i32
    scf.for %scan3A_302 = %scan3A_289 to %scan3A_291 step %scan3A_292  : i32 {
      "tpu.region"() ({
        %run_scoped3A = tpu.sem_alloc : memref<!tpu.dma_semaphore, #tpu.memory_space<semaphore_mem>>
        %dma_start3A = arith.constant 0 : i32
        %dma_start3A_303 = tpu.memref_slice %arg4[%scan3A_302, %dma_start3A] : memref<80x128xi32, #tpu.memory_space<vmem>> -> memref<1x128xi32, #tpu.memory_space<vmem>>
        %dma_start3A_304 = tpu.memref_squeeze %dma_start3A_303 : memref<1x128xi32, #tpu.memory_space<vmem>> -> memref<128xi32, #tpu.memory_space<vmem>>
        %dma_start3A_305 = arith.constant 0 : i32
        %dma_start3A_306 = tpu.memref_slice %arg7[%dma_start3A_305] : memref<10240xf32, #tpu.memory_space<vmem_shared>> -> memref<10240xf32, #tpu.memory_space<vmem_shared>>
        tpu.enqueue_indirect_dma source(%arg5 : memref<128xf32, #tpu.memory_space<vmem>>) target(%dma_start3A_306 : memref<10240xf32, #tpu.memory_space<vmem_shared>>) offsets(%dma_start3A_304 : memref<128xi32, #tpu.memory_space<vmem>>) semaphore(%run_scoped3A : memref<!tpu.dma_semaphore, #tpu.memory_space<semaphore_mem>>) {add = true}
        %dma_wait3A = arith.constant 0 : i32
        %dma_wait3A_307 = tpu.memref_slice %arg4[%scan3A_302, %dma_wait3A] : memref<80x128xi32, #tpu.memory_space<vmem>> -> memref<1x128xi32, #tpu.memory_space<vmem>>
        %dma_wait3A_308 = tpu.memref_squeeze %dma_wait3A_307 : memref<1x128xi32, #tpu.memory_space<vmem>> -> memref<128xi32, #tpu.memory_space<vmem>>
        %dma_wait3A_309 = arith.constant 0 : i32
        %dma_wait3A_310 = tpu.memref_slice %arg7[%dma_wait3A_309] : memref<10240xf32, #tpu.memory_space<vmem_shared>> -> memref<10240xf32, #tpu.memory_space<vmem_shared>>
        tpu.wait_indirect_dma semaphore(%run_scoped3A : memref<!tpu.dma_semaphore, #tpu.memory_space<semaphore_mem>>) src(%arg5 : memref<128xf32, #tpu.memory_space<vmem>>) dst(%dma_wait3A_310 : memref<10240xf32, #tpu.memory_space<vmem_shared>>)
        tpu.yield
      }) : () -> ()
    }
    %scan3A_293 = arith.constant 80 : i32
    %barrier3A_294 = arith.constant 0 : index
    tpu.barrier barrier_id(%barrier3A_294)
    %mul3A_295 = arith.constant 640 : i32
    %mul3A_296 = arith.muli %arg1, %mul3A_295 : i32
    %mul3A_297 = arith.constant 10240 : i32
    %mul3A_298 = arith.muli %arg0, %mul3A_297 : i32
    %mul3A_299 = arith.constant 640 : i32
    %mul3A_300 = arith.muli %arg1, %mul3A_299 : i32
    %add3A_301 = arith.addi %mul3A_298, %mul3A_300 : i32
    "tpu.region"() ({
      %run_scoped3A = tpu.sem_alloc : memref<!tpu.dma_semaphore, #tpu.memory_space<semaphore_mem>>
      %dma_start3A = tpu.memref_slice %arg3[%add3A_301] : memref<20480xf32, #tpu.memory_space<hbm>> -> memref<640xf32, #tpu.memory_space<hbm>>
      %dma_start3A_302 = tpu.memref_slice %arg7[%mul3A_296] : memref<10240xf32, #tpu.memory_space<vmem_shared>> -> memref<640xf32, #tpu.memory_space<vmem_shared>>
      tpu.enqueue_dma source(%dma_start3A_302 : memref<640xf32, #tpu.memory_space<vmem_shared>>) target(%dma_start3A : memref<640xf32, #tpu.memory_space<hbm>>) target_semaphore(%run_scoped3A : memref<!tpu.dma_semaphore, #tpu.memory_space<semaphore_mem>>)
      %dma_wait3A = tpu.memref_slice %arg3[%add3A_301] : memref<20480xf32, #tpu.memory_space<hbm>> -> memref<640xf32, #tpu.memory_space<hbm>>
      %dma_wait3A_303 = tpu.memref_slice %arg7[%mul3A_296] : memref<10240xf32, #tpu.memory_space<vmem_shared>> -> memref<640xf32, #tpu.memory_space<vmem_shared>>
      tpu.wait_dma2 semaphore(%run_scoped3A : memref<!tpu.dma_semaphore, #tpu.memory_space<semaphore_mem>>) src(%dma_wait3A_303 : memref<640xf32, #tpu.memory_space<vmem_shared>>) dst(%dma_wait3A : memref<640xf32, #tpu.memory_space<hbm>>)
      tpu.yield
    }) : () -> ()
    return
  }
}

module attributes {stable_mosaic.version = 14 : i64} {
  func.func @body(%arg0: i32, %arg1: memref<512x128xf32, #tpu.memory_space<vmem>>, %arg2: memref<128x128xf32, #tpu.memory_space<vmem>>, %arg3: memref<512x1xf32, #tpu.memory_space<vmem>>, %arg4: memref<512x1xf32, #tpu.memory_space<vmem>>, %arg5: memref<512x128xf32, #tpu.memory_space<vmem>>, %arg6: memref<512x128xf32, #tpu.memory_space<vmem>>) attributes {dimension_semantics = [#tpu.dimension_semantics<arbitrary>], iteration_bounds = array<i64: 20>, scalar_prefetch = 0 : i64, scratch_operands = 0 : i64, tpu.core_type = #tpu.core_type<tc>, window_params = [{transform_indices = @transform_0, window_bounds = array<i64: 512, 128>}, {pipeline_mode = #tpu.pipeline_mode<synchronous>, transform_indices = @transform_1, window_bounds = array<i64: 128, 128>}, {transform_indices = @transform_2, window_bounds = array<i64: 512, 1>}, {transform_indices = @transform_3, window_bounds = array<i64: 512, 1>}, {transform_indices = @transform_4, window_bounds = array<i64: 512, 128>}, {transform_indices = @transform_5, window_bounds = array<i64: 512, 128>}]} {
    %get3A = arith.constant 0 : index
    %get3A_0 = arith.constant 0 : index
    %get3A_1 = vector.load %arg3[%get3A, %get3A_0] : memref<512x1xf32, #tpu.memory_space<vmem>>, vector<512x1xf32>
    %get3A_2 = arith.constant 0 : index
    %get3A_3 = arith.constant 0 : index
    %get3A_4 = vector.load %arg4[%get3A_2, %get3A_3] : memref<512x1xf32, #tpu.memory_space<vmem>>, vector<512x1xf32>
    %add3A = arith.addf %get3A_1, %get3A_4 : vector<512x1xf32>
    %add3A_5 = arith.constant 1.000000e+00 : f32
    %add3A_6 = vector.broadcast %add3A_5 : f32 to vector<512x1xf32>
    %add3A_7 = arith.addf %add3A, %add3A_6 : vector<512x1xf32>
    %rsqrt3A = math.rsqrt %add3A_7 : vector<512x1xf32>
    %get3A_8 = arith.constant 0 : index
    %get3A_9 = arith.constant 0 : index
    %get3A_10 = vector.load %arg1[%get3A_8, %get3A_9] : memref<512x128xf32, #tpu.memory_space<vmem>>, vector<512x128xf32>
    %get3A_11 = arith.constant 0 : index
    %get3A_12 = arith.constant 0 : index
    %get3A_13 = vector.load %arg2[%get3A_11, %get3A_12] : memref<128x128xf32, #tpu.memory_space<vmem>>, vector<128x128xf32>
    %dot_general3A = arith.constant dense<0.000000e+00> : vector<512x128xf32>
    %dot_general3A_14 = tpu.matmul %get3A_10, %get3A_13, %dot_general3A {dimension_numbers = #tpu.dot_dimension_numbers<[1], [0], [0], [1], [0, 0, 1, 1], [], []>, precision = #tpu.contract_precision<fp32>, transpose_lhs_hint = false} : vector<512x128xf32>, vector<128x128xf32>, vector<512x128xf32> -> vector<512x128xf32>
    %mul3A = vector.broadcast %rsqrt3A : vector<512x1xf32> to vector<512x128xf32>
    %mul3A_15 = arith.mulf %dot_general3A_14, %mul3A : vector<512x128xf32>
    %swap3A = arith.constant 0 : index
    %swap3A_16 = arith.constant 0 : index
    %swap3A_17 = vector.load %arg5[%swap3A, %swap3A_16] : memref<512x128xf32, #tpu.memory_space<vmem>>, vector<512x128xf32>
    tpu.vector_store %arg5[%swap3A, %swap3A_16], %mul3A_15 {strides = array<i32>} : memref<512x128xf32, #tpu.memory_space<vmem>>, vector<512x128xf32>,
    %broadcast_in_dim3A = vector.shape_cast %rsqrt3A : vector<512x1xf32> to vector<512x1xf32>
    %broadcast_in_dim3A_18 = vector.broadcast %broadcast_in_dim3A : vector<512x1xf32> to vector<512x128xf32>
    %swap3A_19 = arith.constant 0 : index
    %swap3A_20 = arith.constant 0 : index
    %swap3A_21 = vector.load %arg6[%swap3A_19, %swap3A_20] : memref<512x128xf32, #tpu.memory_space<vmem>>, vector<512x128xf32>
    tpu.vector_store %arg6[%swap3A_19, %swap3A_20], %broadcast_in_dim3A_18 {strides = array<i32>} : memref<512x128xf32, #tpu.memory_space<vmem>>, vector<512x128xf32>,
    return
  }
  func.func @transform_0(%arg0: i32) -> (i32, i32) {
    %c0_i32 = arith.constant 0 : i32
    %c0_i32_0 = arith.constant 0 : i32
    return %arg0, %c0_i32 : i32, i32
  }
  func.func @transform_1(%arg0: i32) -> (i32, i32) {
    %c0_i32 = arith.constant 0 : i32
    %c0_i32_0 = arith.constant 0 : i32
    %c0_i32_1 = arith.constant 0 : i32
    return %c0_i32, %c0_i32_0 : i32, i32
  }
  func.func @transform_2(%arg0: i32) -> (i32, i32) {
    %c0_i32 = arith.constant 0 : i32
    %c0_i32_0 = arith.constant 0 : i32
    return %arg0, %c0_i32 : i32, i32
  }
  func.func @transform_3(%arg0: i32) -> (i32, i32) {
    %c0_i32 = arith.constant 0 : i32
    %c0_i32_0 = arith.constant 0 : i32
    return %arg0, %c0_i32 : i32, i32
  }
  func.func @transform_4(%arg0: i32) -> (i32, i32) {
    %c0_i32 = arith.constant 0 : i32
    %c0_i32_0 = arith.constant 0 : i32
    return %arg0, %c0_i32 : i32, i32
  }
  func.func @transform_5(%arg0: i32) -> (i32, i32) {
    %c0_i32 = arith.constant 0 : i32
    %c0_i32_0 = arith.constant 0 : i32
    return %arg0, %c0_i32 : i32, i32
  }
}

module attributes {stable_mosaic.version = 14 : i64} {
  func.func @body(%arg0: i32, %arg1: memref<512x128xf32, #tpu.memory_space<vmem>>, %arg2: memref<512x128xf32, #tpu.memory_space<vmem>>, %arg3: memref<512x128xf32, #tpu.memory_space<vmem>>, %arg4: memref<512x128xf32, #tpu.memory_space<vmem>>, %arg5: memref<1x128xf32, #tpu.memory_space<vmem>>, %arg6: memref<128x64xf32, #tpu.memory_space<vmem>>, %arg7: memref<512x128xf32, #tpu.memory_space<vmem>>) attributes {dimension_semantics = [#tpu.dimension_semantics<arbitrary>], iteration_bounds = array<i64: 20>, scalar_prefetch = 0 : i64, scratch_operands = 0 : i64, tpu.core_type = #tpu.core_type<tc>, window_params = [{transform_indices = @transform_0, window_bounds = array<i64: 512, 128>}, {transform_indices = @transform_1, window_bounds = array<i64: 512, 128>}, {transform_indices = @transform_2, window_bounds = array<i64: 512, 128>}, {transform_indices = @transform_3, window_bounds = array<i64: 512, 128>}, {pipeline_mode = #tpu.pipeline_mode<synchronous>, transform_indices = @transform_4, window_bounds = array<i64: 1, 128>}, {pipeline_mode = #tpu.pipeline_mode<synchronous>, transform_indices = @transform_5, window_bounds = array<i64: 128, 64>}, {transform_indices = @transform_6, window_bounds = array<i64: 512, 128>}]} {
    %get3A = arith.constant 0 : index
    %get3A_0 = arith.constant 0 : index
    %get3A_1 = vector.load %arg4[%get3A, %get3A_0] : memref<512x128xf32, #tpu.memory_space<vmem>>, vector<512x128xf32>
    %get3A_2 = arith.constant 0 : index
    %get3A_3 = arith.constant 0 : index
    %get3A_4 = vector.load %arg1[%get3A_2, %get3A_3] : memref<512x128xf32, #tpu.memory_space<vmem>>, vector<512x128xf32>
    %get3A_5 = arith.constant 0 : index
    %get3A_6 = arith.constant 0 : index
    %get3A_7 = vector.load %arg2[%get3A_5, %get3A_6] : memref<512x128xf32, #tpu.memory_space<vmem>>, vector<512x128xf32>
    %add3A = arith.addf %get3A_4, %get3A_7 : vector<512x128xf32>
    %get3A_8 = arith.constant 0 : index
    %get3A_9 = arith.constant 0 : index
    %get3A_10 = vector.load %arg3[%get3A_8, %get3A_9] : memref<512x128xf32, #tpu.memory_space<vmem>>, vector<512x128xf32>
    %add3A_11 = arith.addf %add3A, %get3A_10 : vector<512x128xf32>
    %mul3A = arith.mulf %add3A_11, %get3A_1 : vector<512x128xf32>
    %get3A_12 = arith.constant 0 : index
    %get3A_13 = arith.constant 0 : index
    %get3A_14 = vector.load %arg5[%get3A_12, %get3A_13] : memref<1x128xf32, #tpu.memory_space<vmem>>, vector<1x128xf32>
    %add3A_15 = vector.broadcast %get3A_14 : vector<1x128xf32> to vector<512x128xf32>
    %add3A_16 = arith.addf %mul3A, %add3A_15 : vector<512x128xf32>
    %max3A = arith.constant 0.000000e+00 : f32
    %max3A_17 = vector.broadcast %max3A : f32 to vector<512x128xf32>
    %max3A_18 = arith.maximumf %add3A_16, %max3A_17 : vector<512x128xf32>
    %get3A_19 = arith.constant 0 : index
    %get3A_20 = arith.constant 0 : index
    %get3A_21 = vector.load %arg6[%get3A_19, %get3A_20] : memref<128x64xf32, #tpu.memory_space<vmem>>, vector<128x64xf32>
    %dot_general3A = arith.constant dense<0.000000e+00> : vector<512x64xf32>
    %dot_general3A_22 = tpu.matmul %max3A_18, %get3A_21, %dot_general3A {dimension_numbers = #tpu.dot_dimension_numbers<[1], [0], [0], [1], [0, 0, 1, 1], [], []>, precision = #tpu.contract_precision<fp32>, transpose_lhs_hint = false} : vector<512x128xf32>, vector<128x64xf32>, vector<512x64xf32> -> vector<512x64xf32>
    %slice3A = vector.extract_strided_slice %get3A_1 {offsets = [0, 0], sizes = [512, 64], strides = [1, 1]} : vector<512x128xf32> to vector<512x64xf32>
    %mul3A_23 = arith.mulf %dot_general3A_22, %slice3A : vector<512x64xf32>
    %broadcast_in_dim3A = arith.constant 0.000000e+00 : f32
    %broadcast_in_dim3A_24 = vector.broadcast %broadcast_in_dim3A : f32 to vector<512x64xf32>
    %concatenate3A = tpu.concatenate %mul3A_23, %broadcast_in_dim3A_24 in 1 : vector<512x64xf32>, vector<512x64xf32> -> vector<512x128xf32>
    %swap3A = arith.constant 0 : index
    %swap3A_25 = arith.constant 0 : index
    %swap3A_26 = vector.load %arg7[%swap3A, %swap3A_25] : memref<512x128xf32, #tpu.memory_space<vmem>>, vector<512x128xf32>
    tpu.vector_store %arg7[%swap3A, %swap3A_25], %concatenate3A {strides = array<i32>} : memref<512x128xf32, #tpu.memory_space<vmem>>, vector<512x128xf32>,
    return
  }
  func.func @transform_0(%arg0: i32) -> (i32, i32) {
    %c0_i32 = arith.constant 0 : i32
    %c0_i32_0 = arith.constant 0 : i32
    return %arg0, %c0_i32 : i32, i32
  }
  func.func @transform_1(%arg0: i32) -> (i32, i32) {
    %c0_i32 = arith.constant 0 : i32
    %c0_i32_0 = arith.constant 0 : i32
    return %arg0, %c0_i32 : i32, i32
  }
  func.func @transform_2(%arg0: i32) -> (i32, i32) {
    %c0_i32 = arith.constant 0 : i32
    %c0_i32_0 = arith.constant 0 : i32
    return %arg0, %c0_i32 : i32, i32
  }
  func.func @transform_3(%arg0: i32) -> (i32, i32) {
    %c0_i32 = arith.constant 0 : i32
    %c0_i32_0 = arith.constant 0 : i32
    return %arg0, %c0_i32 : i32, i32
  }
  func.func @transform_4(%arg0: i32) -> (i32, i32) {
    %c0_i32 = arith.constant 0 : i32
    %c0_i32_0 = arith.constant 0 : i32
    %c0_i32_1 = arith.constant 0 : i32
    return %c0_i32, %c0_i32_0 : i32, i32
  }
  func.func @transform_5(%arg0: i32) -> (i32, i32) {
    %c0_i32 = arith.constant 0 : i32
    %c0_i32_0 = arith.constant 0 : i32
    %c0_i32_1 = arith.constant 0 : i32
    return %c0_i32, %c0_i32_0 : i32, i32
  }
  func.func @transform_6(%arg0: i32) -> (i32, i32) {
    %c0_i32 = arith.constant 0 : i32
    %c0_i32_0 = arith.constant 0 : i32
    return %arg0, %c0_i32 : i32, i32
  }
}

module attributes {stable_mosaic.version = 14 : i64} {
  func.func @body(%arg0: i32, %arg1: memref<512x128xf32, #tpu.memory_space<vmem>>, %arg2: memref<512x128xf32, #tpu.memory_space<vmem>>, %arg3: memref<512x128xf32, #tpu.memory_space<vmem>>, %arg4: memref<512x128xf32, #tpu.memory_space<vmem>>, %arg5: memref<1x64xf32, #tpu.memory_space<vmem>>, %arg6: memref<512x64xf32, #tpu.memory_space<vmem>>) attributes {dimension_semantics = [#tpu.dimension_semantics<arbitrary>], iteration_bounds = array<i64: 20>, scalar_prefetch = 0 : i64, scratch_operands = 0 : i64, tpu.core_type = #tpu.core_type<tc>, window_params = [{transform_indices = @transform_0, window_bounds = array<i64: 512, 128>}, {transform_indices = @transform_1, window_bounds = array<i64: 512, 128>}, {transform_indices = @transform_2, window_bounds = array<i64: 512, 128>}, {transform_indices = @transform_3, window_bounds = array<i64: 512, 128>}, {pipeline_mode = #tpu.pipeline_mode<synchronous>, transform_indices = @transform_4, window_bounds = array<i64: 1, 64>}, {transform_indices = @transform_5, window_bounds = array<i64: 512, 64>}]} {
    %get3A = arith.constant 0 : index
    %get3A_0 = arith.constant 0 : index
    %get3A_1 = vector.load %arg1[%get3A, %get3A_0] : memref<512x128xf32, #tpu.memory_space<vmem>>, vector<512x128xf32>
    %get3A_2 = arith.constant 0 : index
    %get3A_3 = arith.constant 0 : index
    %get3A_4 = vector.load %arg2[%get3A_2, %get3A_3] : memref<512x128xf32, #tpu.memory_space<vmem>>, vector<512x128xf32>
    %add3A = arith.addf %get3A_1, %get3A_4 : vector<512x128xf32>
    %get3A_5 = arith.constant 0 : index
    %get3A_6 = arith.constant 0 : index
    %get3A_7 = vector.load %arg3[%get3A_5, %get3A_6] : memref<512x128xf32, #tpu.memory_space<vmem>>, vector<512x128xf32>
    %add3A_8 = arith.addf %add3A, %get3A_7 : vector<512x128xf32>
    %slice3A = vector.extract_strided_slice %add3A_8 {offsets = [0, 0], sizes = [512, 64], strides = [1, 1]} : vector<512x128xf32> to vector<512x64xf32>
    %get3A_9 = arith.constant 0 : index
    %get3A_10 = arith.constant 0 : index
    %get3A_11 = vector.load %arg4[%get3A_9, %get3A_10] : memref<512x128xf32, #tpu.memory_space<vmem>>, vector<512x128xf32>
    %slice3A_12 = vector.extract_strided_slice %get3A_11 {offsets = [0, 0], sizes = [512, 64], strides = [1, 1]} : vector<512x128xf32> to vector<512x64xf32>
    %mul3A = arith.mulf %slice3A, %slice3A_12 : vector<512x64xf32>
    %get3A_13 = arith.constant 0 : index
    %get3A_14 = arith.constant 0 : index
    %get3A_15 = vector.load %arg5[%get3A_13, %get3A_14] : memref<1x64xf32, #tpu.memory_space<vmem>>, vector<1x64xf32>
    %add3A_16 = vector.broadcast %get3A_15 : vector<1x64xf32> to vector<512x64xf32>
    %add3A_17 = arith.addf %mul3A, %add3A_16 : vector<512x64xf32>
    %swap3A = arith.constant 0 : index
    %swap3A_18 = arith.constant 0 : index
    %swap3A_19 = vector.load %arg6[%swap3A, %swap3A_18] : memref<512x64xf32, #tpu.memory_space<vmem>>, vector<512x64xf32>
    tpu.vector_store %arg6[%swap3A, %swap3A_18], %add3A_17 {strides = array<i32>} : memref<512x64xf32, #tpu.memory_space<vmem>>, vector<512x64xf32>,
    return
  }
  func.func @transform_0(%arg0: i32) -> (i32, i32) {
    %c0_i32 = arith.constant 0 : i32
    %c0_i32_0 = arith.constant 0 : i32
    return %arg0, %c0_i32 : i32, i32
  }
  func.func @transform_1(%arg0: i32) -> (i32, i32) {
    %c0_i32 = arith.constant 0 : i32
    %c0_i32_0 = arith.constant 0 : i32
    return %arg0, %c0_i32 : i32, i32
  }
  func.func @transform_2(%arg0: i32) -> (i32, i32) {
    %c0_i32 = arith.constant 0 : i32
    %c0_i32_0 = arith.constant 0 : i32
    return %arg0, %c0_i32 : i32, i32
  }
  func.func @transform_3(%arg0: i32) -> (i32, i32) {
    %c0_i32 = arith.constant 0 : i32
    %c0_i32_0 = arith.constant 0 : i32
    return %arg0, %c0_i32 : i32, i32
  }
  func.func @transform_4(%arg0: i32) -> (i32, i32) {
    %c0_i32 = arith.constant 0 : i32
    %c0_i32_0 = arith.constant 0 : i32
    %c0_i32_1 = arith.constant 0 : i32
    return %c0_i32, %c0_i32_0 : i32, i32
  }
  func.func @transform_5(%arg0: i32) -> (i32, i32) {
    %c0_i32 = arith.constant 0 : i32
    %c0_i32_0 = arith.constant 0 : i32
    return %arg0, %c0_i32 : i32, i32
  }
}

</mosaic_0001>

<sc_bundles>
// kernel: kernel.11.cloned.1.call-start
scs
__scs_entry_jumppad:
0x0: {  	(pc) =	sbr.rel $0x88, $3  }
0x1: {  	(tag) =	ssettag $0x0;
	lr =	simm.s32 $0x1  }
0x2: {  	[smem:$0x3F9B] =	sst lr;
	_ =	strace $0xD0000000  }
0x3: {  	_ = 	snop  }
0x4: {  	_ = 	snop  }
0x5: {  	_ = 	snop  }
0x6: {  	_ = 	snop  }
0x7: {  	_ = 	snop  }
__scs_overlays_trampoline_lowered:
0x8: {  	[smem:$0x3FAA] =	sst s0  }
0x9: {  	[smem:$0x3FAB] =	sst s1  }
0xa: {  	[smem:$0x3FAC] =	sst s2  }
0xb: {  	[smem:$0x3FAD] =	sst s3  }
0xc: {  	[smem:$0x3FAE] =	sst s4  }
0xd: {  	[smem:$0x3FAF] =	sst s5  }
0xe: {  	[smem:$0x3FB0] =	sst s6  }
0xf: {  	[smem:$0x3FB1] =	sst s7  }
0x10: {  	[smem:$0x3FB2] =	sst s8  }
0x11: {  	[smem:$0x3FB3] =	sst s9;
	s0 =	simm.s32 @!p0 $0x0  }
0x12: {  	s1 =	sld [smem:$0x3F99];
	s0 =	simm.s32 @p0 $0x1  }
0x13: {  	[smem:$0x3FB4] =	sst s0;
	s0 =	simm.s32 @!p1 $0x0  }
0x14: {  	s2 =	sld [smem:$0x3F98];
	s0 =	simm.s32 @p1 $0x1  }
0x15: {  	[smem:$0x3FB5] =	sst s0;
	s0 =	simm.s32 @!p2 $0x0  }
0x16: {  	s3 =	sld [smem:$0x3FDB];
	s0 =	simm.s32 @p2 $0x1  }
0x17: {  	s4 =	simm.s32 $0x1BF5;
	[smem:$0x3FB7] =	sst s0  }
0x18: {  	s0 =	sld [smem:$0x3F9A];
	_ =	swait.ge [sflag:s4], $0x0  }
0x19: {  	s7 =	sld [smem:$0x3F9B]  }
0x1a: {  	s8 =	sadd.s32 $0xFFFFE003, lr  }
0x1b: {  	s9 =	sadd.s32 $0xFFFFFEF7, lr;
	s5 =	simm.s32 $0xFFFFFFFF;
	p2 =	slt.u32 s8, $0xFFFFF086  }
0x1c: {  	p1 =	slt.u32 s9, $0xF7A;
	s5 =	simm.s32 @!p2 $0x0  }
0x1d: {  	s5 =	simm.s32 @p1 $0x1;
	p0 =	seq.s32 s7, s2  }
0x1e: {  	s7 =	smul.u32 @!p0 $0xF7A, s2;
	p2 =	seq.s32 @!p0 s5, $0x0  }
0x1f: {  	s9 =	smul.u32 $0xF7A, s1;
	s8 =	simm.s32 @!p0 $0x1BF5;
	p2 =	por !p2, p0  }
0x20: {  	[sflag:s8] =	ssyncset.s32 @!p0 $0xFFFFF086;
	s6 =	sadd.s32 @!p0 s3, s7;
	s7 =	simm.s32 @!p0 $0x108  }
0x21: {  	s3 =	sadd.s32 s3, s9;
	s6 =	sadd.s32 @!p0 $0x88, s6;
	s7 =	simm.s32 @p2 $0x1082  }
0x22: {  	[simem:s7], [sflag:s8] =	dma.local @!p0 [hbm:s6], $0xF7A  }
0x23: {  	s9 =	sor.u32 $0xD0000000, s2;
	s6 =	simm.s32 $0x108;
	_ =	swait.ge @!p0 [sflag:s8], $0x0  }
0x24: {  	s3 =	sadd.s32 $0x88, s3;
	s6 =	simm.s32 @!p1 $0x1082;
	[sflag:s4] =	ssyncset.s32 $0xFFFFF086  }
0x25: {  	[simem:s6], [sflag:s4] =	dma.local [hbm:s3], $0xF7A  }
0x26: {  	[smem:$0x3F9B] =	sst s1;
	(tag) =	ssettag s2;
	_ =	strace s9  }
0x27: {  	s1 =	sld [smem:$0x3FAB]  }
0x28: {  	s2 =	sld [smem:$0x3FAC]  }
0x29: {  	s4 =	sld [smem:$0x3FAE]  }
0x2a: {  	p0 =	seq.s32 s5, $0x0;
	s5 =	sld [smem:$0x3FAF]  }
0x2b: {  	s6 =	sld [smem:$0x3FB0]  }
0x2c: {  	s7 =	sld [smem:$0x3FB1]  }
0x2d: {  	s3 =	simm.s32 $0x108;
	s8 =	sld [smem:$0x3FB2]  }
0x2e: {  	s3 =	simm.s32 @!p0 $0x1082;
	s9 =	sld [smem:$0x3FB3]  }
0x2f: {  	lr =	sadd.s32 s0, s3;
	s0 =	sld [smem:$0x3FAA]  }
0x30: {  	s3 =	sld [smem:$0x3FAD]  }
0x31: {  	[smem:$0x3FB6] =	sst s10  }
0x32: {  	s10 =	sld [smem:$0x3FB4];
	_ =	sdelay $0x3  }
0x33: {  	p0 =	seq.s32 s10, $0x1;
	s10 =	sld [smem:$0x3FB6];
	_ =	sdelay $0x3  }
0x34: {  	[smem:$0x3FB6] =	sst s10  }
0x35: {  	s10 =	sld [smem:$0x3FB5];
	_ =	sdelay $0x3  }
0x36: {  	p1 =	seq.s32 s10, $0x1;
	s10 =	sld [smem:$0x3FB6];
	_ =	sdelay $0x3  }
0x37: {  	[smem:$0x3FB6] =	sst s10  }
0x38: {  	s10 =	sld [smem:$0x3FB7]  }
0x39: {  	_ = 	snop;
	(pc) =	sbr.ind lr, $3  }
0x3a: {  	_ = 	snop  }
0x3b: {  	_ = 	snop  }
0x3c: {  	p2 =	seq.s32 s10, $0x1;
	s10 =	sld [smem:$0x3FB6]  }
0x3d: {  	_ =	shalt  }
0x3e: {  	_ =	shalt  }
0x3f: {  	_ =	shalt  }
0x40: {  	_ =	shalt  }
0x41: {  	_ =	shalt  }
0x42: {  	_ =	shalt  }
0x43: {  	_ =	shalt  }
0x44: {  	_ =	shalt  }
0x45: {  	_ =	shalt  }
0x46: {  	_ =	shalt  }
0x47: {  	_ =	shalt  }
0x48: {  	_ =	shalt  }
0x49: {  	_ =	shalt  }
0x4a: {  	_ =	shalt  }
0x4b: {  	_ =	shalt  }
0x4c: {  	_ =	shalt  }
0x4d: {  	_ =	shalt  }
0x4e: {  	_ =	shalt  }
0x4f: {  	_ =	shalt  }
0x50: {  	_ =	shalt  }
0x51: {  	_ =	shalt  }
0x52: {  	_ =	shalt  }
0x53: {  	_ =	shalt  }
0x54: {  	_ =	shalt  }
0x55: {  	_ =	shalt  }
0x56: {  	_ =	shalt  }
0x57: {  	_ =	shalt  }
0x58: {  	_ =	shalt  }
0x59: {  	_ =	shalt  }
0x5a: {  	_ =	shalt  }
0x5b: {  	_ =	shalt  }
0x5c: {  	_ =	shalt  }
0x5d: {  	_ =	shalt  }
0x5e: {  	_ =	shalt  }
0x5f: {  	_ =	shalt  }
0x60: {  	_ =	shalt  }
0x61: {  	_ =	shalt  }
0x62: {  	_ =	shalt  }
0x63: {  	_ =	shalt  }
0x64: {  	_ =	shalt  }
0x65: {  	_ =	shalt  }
0x66: {  	_ =	shalt  }
0x67: {  	_ =	shalt  }
0x68: {  	_ =	shalt  }
0x69: {  	_ =	shalt  }
0x6a: {  	_ =	shalt  }
0x6b: {  	_ =	shalt  }
0x6c: {  	_ =	shalt  }
0x6d: {  	_ =	shalt  }
0x6e: {  	_ =	shalt  }
0x6f: {  	_ =	shalt  }
0x70: {  	_ =	shalt  }
0x71: {  	_ =	shalt  }
0x72: {  	_ =	shalt  }
0x73: {  	_ =	shalt  }
0x74: {  	_ =	shalt  }
0x75: {  	_ =	shalt  }
0x76: {  	_ =	shalt  }
0x77: {  	_ =	shalt  }
0x78: {  	_ =	shalt  }
0x79: {  	_ =	shalt  }
0x7a: {  	_ =	shalt  }
0x7b: {  	_ =	shalt  }
0x7c: {  	_ =	shalt  }
0x7d: {  	_ =	shalt  }
0x7e: {  	_ =	shalt  }
0x7f: {  	_ =	shalt  }
0x80: {  	_ =	shalt  }
0x81: {  	_ =	shalt  }
0x82: {  	_ =	shalt  }
0x83: {  	_ =	shalt  }
0x84: {  	_ =	shalt  }
0x85: {  	_ =	shalt  }
0x86: {  	_ =	shalt  }
0x87: {  	_ =	shalt  }
.Lfunc_end0:
.L_simem_size_0:
called_computation.1_lowered:
.L_overlay_start_0:
0x88: {  	s2 =	sld [smem:$0x3FD9]  }
0x89: {  	s3 =	sld [smem:$0x3FFE];
	_ =	sdelay $0x1  }
0x8a: {  	s1 =	srdreg.scid  }
0x8b: {  	s0 =	sand.u32 $0x1, s1  }
0x8c: {  	s17 =	sshll.u32 s0, $0xA;
	s2 =	sadd.s32 s3, s2  }
0x8d: {  	s2 =	sadd.s32 s2, s17  }
0x8e: {  	[smem:$0x3FC2] =	sst s2  }
0x8f: {  	_ = 	snop  }
0x90: {  	s2 =	sld [smem:$0x3FD0];
	(tm) =	ssettm $0x1  }
0x91: {  	s18 =	sld [smem:$0x3FFB];
	_ =	sdelay $0x3  }
0x92: {  	_ =	strace s18  }
0x93: {  	s3 =	sld [smem:$0x3FFC];
	_ =	sdelay $0x3  }
0x94: {  	_ =	strace s3  }
0x95: {  	s3 =	sld [smem:$0x3FFD];
	_ =	sdelay $0x3  }
0x96: {  	_ =	strace s3  }
0x97: {  	_ =	strace $0x8FFFFFFF  }
0x98: {  	s19 =	sld [smem:$0x3FDB];
	_ =	sdelay $0x1  }
0x99: {  	s4 =	simm.s32 $_scs_section_size  }
0x9a: {  	s5 =	simm.s32 $_size__tile_overlayer_lowered;
	s6 =	simm.s32 $_tile_overlayer_lowered  }
0x9b: {  	s22 =	simm.s32 $0x1BFF;
	s21 =	sshll.u32 s6, $0x1;
	s3 =	sadd.s32 s4, s19  }
0x9c: {  	s7 =	simm.s32 $0x0;
	s20 =	sshll.u32 s5, $0x1;
	s5 =	sadd.s32 s21, s3  }
0x9d: {  	[timem:s7], [sflag:s22] =	dma.local [hbm:s5], s20  }
0x9e: {  	_ =	swait.ge [sflag:s22], s20  }
0x9f: {  	s4 =	ssub.s32 $0x0, s20;
	[sflag:s22] =	ssyncset.done $0x0  }
0xa0: {  	[sflag:s22] =	ssyncadd.s32 s4;
	_ =	sdelay $0x1  }
0xa1: {  	s23 =	simm.s32 $0x1B8B  }
0xa2: {  	_ =	swait.ge [sflag:s23], $0x1  }
0xa3: {  	[sflag:s23] =	ssyncset.done $0x0  }
0xa4: {  	s25 =	simm.s32 $0x1B8E;
	s24 =	sld [smem:$0x3FFE];
	[sflag:s23] =	ssyncadd.s32 $0xFFFFFFFF  }
0xa5: {  	s26 =	simm.s32 $execute0_lowered;
	[smem:$0x3FD2] =	sst s25  }
0xa6: {  	s5 =	sshll.u32 s26, $0x1;
	_ =	strace $0x80000049;
	[dreg:$0x1] =	wrdreg $0xFFFFFFFF  }
0xa7: {  	s28 =	simm.s32 $_size_execute0_lowered;
	s3 =	sadd.s32 s3, s5;
	[dreg:$0x0] =	wrdreg $0x0  }
0xa8: {  	s5 =	sshll.u32 s28, $0x1;
	[dreg:$0x2] =	wrdreg s3  }
0xa9: {  	[dreg:$0x3] =	wrdreg s5  }
0xaa: {  	[dreg:$0x4] =	wrdreg $0xC0  }
0xab: {  	_ =	task [dreg:s7], $0x5FFFF  }
0xac: {  	[dreg:$0x1] =	wrdreg $0xFFFFFFFF  }
0xad: {  	[dreg:$0x0] =	wrdreg $0x60  }
0xae: {  	[dreg:$0x2] =	wrdreg s24  }
0xaf: {  	[dreg:$0x3] =	wrdreg s2  }
0xb0: {  	[dreg:$0x4] =	wrdreg $0x90000  }
0xb1: {  	[dreg:$0x5] =	wrdreg $0x9  }
0xb2: {  	_ =	task.clear_ibuf [dreg:s7], $0x6FFFF;
	_ =	strace $0x90000049  }
0xb3: {  	s29 =	simm.s32 $0x9;
	_ =	strace $0x8000004B  }
0xb4: {  	_ =	swait.ge [sflag:s29], $0x1  }
0xb5: {  	[sflag:s29] =	ssyncadd.s32 $0xFFFFFFFF  }
0xb6: {  	_ =	strace $0x9000004B  }
0xb7: {  	_ =	sfence  }
0xb8: {  	s30 =	sld [smem:$0x0];
	_ =	sdelay $0x2  }
0xb9: {  	s31 =	sshll.u32 s1, $0xD;
	s1 =	sshrl.u32 s1, $0x2  }
0xba: {  	s3 =	sand.u32 $0x4000, s31;
	s1 =	sadd.s32 s1, s30  }
0xbb: {  	s0 =	sor.u32 s3, s0;
	s1 =	sshll.u32 s1, $0x11  }
0xbc: {  	s0 =	sor.u32 s1, s0  }
0xbd: {  	s0 =	sadd.s32 $0x8F2B, s0  }
0xbe: {  	[sflag:s0] =	ssyncadd.remote.s32 $0x1  }
0xbf: {  	_ =	sfence.sel $0xFFFF  }
0xc0: {  	[dreg:$0x0] =	wrdreg $0xFFFFFFFF;
	(pc) =	sbr.abs _section_cstart, $3  }
0xc1: {  	[dreg:$0x1] =	wrdreg $0xFFFFFFFF  }
0xc2: {  	_ =	task.clear_ibuf [dreg:s7], $0x2FFFF;
	_ =	strace $0x9FFFFFFF  }
0xc3: {  	(tm) =	ssettm $0x7FFFFFFF  }
tec
execute0_lowered:
.L_overlay_start_1:
0x0: {  	(tag) =	ssettag $0x1  }
0x1: {  	s5 =	rddreg [dreg:$0x0]  }
0x2: {  	s7 =	rddreg [dreg:$0x1]  }
0x3: {  	s0 =	srdreg.scid;
	s2 =	rddreg [dreg:$0x2]  }
0x4: {  	s3 =	simm.s32 $0x0;
	s14 =	simm.s32 $0x80;
	s15 =	simm.s32 $0x5000  }
0x5: {  	s16 =	simm.s32 $0x1;
	s6 =	sand.u32 $0x1, s0;
	s0 =	stileid.u32  }
0x6: {  	s17 =	simm.s32 $0x0;
	[smem:$0x7FF] =	sst s3;
	s9 =	smul.u32 $0x2800, s0  }
0x7: {  	s1 =	sshll.u32 s6, $0x4;
	s10 =	smul.u32 $0x28000, s6;
	s6 =	ssub.s32 $0x2, s6  }
0x8: {  	s12 =	smul.u32 $0x50000, s0;
	s31 =	sshll.u32 s0, $0x6;
	s4 =	sor.u32 s0, s1  }
0x9: {  	s1 =	rddreg [dreg:$0x3];
	_ =	strace $0x8000004A;
	s29 =	sshrl.u32 s6, $0x1  }
0xa: {  	s8 =	smul.u32 $0x500, s4;
	s4 =	sadd.s32 $0xD600, s5;
	s13 =	sadd.s32 s9, s5  }
0xb: {  	s9 =	sadd.s32 s9, s10;
	s10 =	ssub.s32 s6, s29;
	s30 =	sshrl.u32 s12, $0x2  }
0xc: {  	s6 =	sor.u32 $0x1C02, s31;
	s9 =	sadd.s32 s9, s5;
	s12 =	sadd.s32 s30, s2  }
0xd: {  	s10 =	smax.u32 s10, $0x1;
	s11 =	sadd.s32 s8, s5;
	s5 =	sadd.s32 $0x5D600, s13  }
0xe: {  	s7 =	sadd.s32 s7, s8;
	s9 =	sadd.s32 $0x85600, s9;
	s13 =	simm.s32 $0x2800  }
0xf: {  	s8 =	sadd.s32 $0x3600, s11;
	s11 =	sshrl.u32 s12, $0x3;
	s12 =	simm.s32 $0x2  }
.LBB2_1:
0x10: {  	[spmem:s11], [sflag:s6] =	dma.local [hbm:s5], $0x2800  }
0x11: {  	_ =	swait.ge [sflag:s12], $0x2800  }
0x12: {  	[sflag:s12] =	ssyncset.done $0x0  }
0x13: {  	[sflag:s12] =	ssyncadd.s32 $0xFFFFD800  }
0x14: {  	[tilespmem:s3], [sflag:$0x2] =	stream.linear.gather [hbm4b:s7+s3], $0x2800, $0x38;
	[tilespmem:$0x1D000] =	vst v63  }
0x15: {  	_ =	swait.ge [sflag:s12], $0x2800  }
0x16: {  	[sflag:s12] =	ssyncset.done $0x0  }
0x17: {  	[sflag:s12] =	ssyncadd.s32 $0xFFFFD800  }
0x18: {  	[tilespmem:s13], [sflag:$0x2] =	stream.linear.gather [hbm4b:s8+s3], $0x2800, $0x38;
	[tilespmem:$0x1D000] =	vst v63  }
0x19: {  	_ =	swait.ge [sflag:s12], $0x2800  }
0x1a: {  	[sflag:s12] =	ssyncset.done $0x0  }
0x1b: {  	[sflag:s12] =	ssyncadd.s32 $0xFFFFD800  }
0x1c: {  	s18 =	simm.s32 $0x0;
	[bflag:$0x0] =	sbarrier.arrive $0xFFFF  }
0x1d: {  	[tilespmem:s15], [sflag:$0x1] =	stream.indirect.gather [hbm4b:s4+s14], $0x80, s18, s14, $0xb8;
	[tilespmem:$0x1D000] =	vst v63  }
0x1e: {  	_ =	swait.ge [sflag:s16], $0x4000  }
0x1f: {  	[sflag:s16] =	ssyncset.done $0x0  }
0x20: {  	s31 =	simm.s32 $0x2800;
	[sflag:s16] =	ssyncadd.s32 $0xFFFFC000  }
0x21: {  	[spmem:s2] =	stream.indirect.scatter.add.f32 [tilespmem:s15], [sflag:$0x2], $0x80, s31, s14, $0xb8;
	[tilespmem:$0x1D000] =	vst v63  }
0x22: {  	_ =	swait.ge [sflag:s12], $0x4000  }
0x23: {  	s19 =	simm.s32 $0x400;
	s18 =	simm.s32 $0x200;
	[sflag:s12] =	ssyncset.done $0x0  }
.LBB2_2:
0x24: {  	s20 =	sshra.s32 s18, $0x2  }
0x25: {  	[sflag:s12] =	ssyncadd.s32 $0xFFFFC000;
	s18 =	smov.u32 s19;
	s21 =	sadd.s32 $0x200, s19  }
0x26: {  	[tilespmem:s15], [sflag:$0x1] =	stream.indirect.gather [hbm4b:s4+s14], $0x80, s20, s14, $0xb8;
	[tilespmem:$0x1D000] =	vst v63  }
0x27: {  	p0 =	sne.s32 s19, $0x9E00;
	_ =	swait.ge [sflag:s16], $0x4000  }
.Ltmp0:
0x28: {  	[sflag:s16] =	ssyncset.done $0x0;
	(pc) =	sbr.rel @p0 .LBB2_2-.Ltmp0, $4  }
0x29: {  	s19 =	sadd.s32 $0x2800, s20;
	[sflag:s16] =	ssyncadd.s32 $0xFFFFC000  }
0x2a: {  	[spmem:s2] =	stream.indirect.scatter.add.f32 [tilespmem:s15], [sflag:$0x2], $0x80, s19, s14, $0xb8;
	[tilespmem:$0x1D000] =	vst v63  }
0x2b: {  	_ =	swait.ge [sflag:s12], $0x4000  }
0x2c: {  	s19 =	smov.u32 s21;
	[sflag:s12] =	ssyncset.done $0x0  }
0x2d: {  	s18 =	sshra.s32 s18, $0x2;
	[sflag:s12] =	ssyncadd.s32 $0xFFFFC000  }
0x2e: {  	[tilespmem:s15], [sflag:$0x1] =	stream.indirect.gather [hbm4b:s4+s14], $0x80, s18, s14, $0xb8;
	[tilespmem:$0x1D000] =	vst v63  }
0x2f: {  	_ =	swait.ge [sflag:s16], $0x4000  }
0x30: {  	[sflag:s16] =	ssyncset.done $0x0  }
0x31: {  	s18 =	sadd.s32 $0x2800, s18;
	[sflag:s16] =	ssyncadd.s32 $0xFFFFC000  }
0x32: {  	[spmem:s2] =	stream.indirect.scatter.add.f32 [tilespmem:s15], [sflag:$0x2], $0x80, s18, s14, $0xb8;
	[tilespmem:$0x1D000] =	vst v63  }
0x33: {  	_ =	swait.ge [sflag:s12], $0x4000  }
0x34: {  	s17 =	sadd.s32 $0x1, s17;
	[sflag:s12] =	ssyncset.done $0x0  }
0x35: {  	p0 =	sne.s32 s17, s10;
	[sflag:s12] =	ssyncadd.s32 $0xFFFFC000  }
.Ltmp1:
0x36: {  	[bflag:$0x0] =	sbarrier.arrive $0xFFFF;
	(pc) =	sbr.rel @p0 .LBB2_1-.Ltmp1, $4  }
0x37: {  	[hbm:s9], [sflag:s6] =	dma.local [spmem:s11], $0x2800  }
0x38: {  	_ =	swait.ge [sflag:s12], $0x2800  }
0x39: {  	[sflag:s12] =	ssyncset.done $0x0  }
0x3a: {  	[sflag:s12] =	ssyncadd.s32 $0xFFFFD800  }
0x3b: {  	_ =	sfence.sel $0x180000  }
0x3c: {  	[bflag:$0x0] =	sbarrier.arrive $0xFFFF  }
0x3d: {  	p0 =	sne.s32 s0, $0x0;
	_ =	strace $0x9000004A  }
0x3e: {  	s0 =	sadd.s32 @!p0 $0x100000, s1;
	[bflag:$0x2] =	sbarrier.arrive $0xFFFF  }
0x3f: {  	[sflag:s0] =	ssyncadd.tile.s32 @!p0 $0x1;
	_ =	shalt  }
.Lfunc_end2:
_tile_overlayer_lowered:
.L_overlay_start_2:
0x40: {  	(tag) =	ssettag $0x2  }
0x41: {  	s0 =	rddreg [dreg:$0x0];
	s2 =	stileid.u32  }
0x42: {  	s1 =	rddreg [dreg:$0x1];
	p0 =	sne.s32 s2, $0x0  }
0x43: {  	s3 =	rddreg [dreg:$0x2];
	[bflag:$0x3] =	sbarrier.arrive $0xFFFF;
	s2 =	simm.s32 @!p0 $0x1C02  }
0x44: {  	[timem:s3], [sflag:s2] =	dma.local @!p0 [hbm:s0], s1  }
0x45: {  	s0 =	simm.s32 @!p0 $0x2  }
0x46: {  	_ =	swait.ge @!p0 [sflag:s0], s1  }
0x47: {  	s1 =	ssub.s32 @!p0 $0x0, s1;
	[sflag:s0] =	ssyncset.done @!p0 $0x0  }
0x48: {  	[sflag:s0] =	ssyncadd.s32 @!p0 s1  }
0x49: {  	[bflag:$0x3] =	sbarrier.arrive $0xFFFF  }
0x4a: {  	_ =	shalt  }

// kernel: kernel.14.cloned.1.call-start
scs
__scs_entry_jumppad:
0x0: {  	(pc) =	sbr.rel $0x88, $3  }
0x1: {  	(tag) =	ssettag $0x0;
	lr =	simm.s32 $0x1  }
0x2: {  	[smem:$0x3F9B] =	sst lr;
	_ =	strace $0xD0000000  }
0x3: {  	_ = 	snop  }
0x4: {  	_ = 	snop  }
0x5: {  	_ = 	snop  }
0x6: {  	_ = 	snop  }
0x7: {  	_ = 	snop  }
__scs_overlays_trampoline_lowered:
0x8: {  	[smem:$0x3FAA] =	sst s0  }
0x9: {  	[smem:$0x3FAB] =	sst s1  }
0xa: {  	[smem:$0x3FAC] =	sst s2  }
0xb: {  	[smem:$0x3FAD] =	sst s3  }
0xc: {  	[smem:$0x3FAE] =	sst s4  }
0xd: {  	[smem:$0x3FAF] =	sst s5  }
0xe: {  	[smem:$0x3FB0] =	sst s6  }
0xf: {  	[smem:$0x3FB1] =	sst s7  }
0x10: {  	[smem:$0x3FB2] =	sst s8  }
0x11: {  	[smem:$0x3FB3] =	sst s9;
	s0 =	simm.s32 @!p0 $0x0  }
0x12: {  	s1 =	sld [smem:$0x3F99];
	s0 =	simm.s32 @p0 $0x1  }
0x13: {  	[smem:$0x3FB4] =	sst s0;
	s0 =	simm.s32 @!p1 $0x0  }
0x14: {  	s2 =	sld [smem:$0x3F98];
	s0 =	simm.s32 @p1 $0x1  }
0x15: {  	[smem:$0x3FB5] =	sst s0;
	s0 =	simm.s32 @!p2 $0x0  }
0x16: {  	s3 =	sld [smem:$0x3FDB];
	s0 =	simm.s32 @p2 $0x1  }
0x17: {  	s4 =	simm.s32 $0x1BF5;
	[smem:$0x3FB7] =	sst s0  }
0x18: {  	s0 =	sld [smem:$0x3F9A];
	_ =	swait.ge [sflag:s4], $0x0  }
0x19: {  	s7 =	sld [smem:$0x3F9B]  }
0x1a: {  	s8 =	sadd.s32 $0xFFFFE003, lr  }
0x1b: {  	s9 =	sadd.s32 $0xFFFFFEF7, lr;
	s5 =	simm.s32 $0xFFFFFFFF;
	p2 =	slt.u32 s8, $0xFFFFF086  }
0x1c: {  	p1 =	slt.u32 s9, $0xF7A;
	s5 =	simm.s32 @!p2 $0x0  }
0x1d: {  	s5 =	simm.s32 @p1 $0x1;
	p0 =	seq.s32 s7, s2  }
0x1e: {  	s7 =	smul.u32 @!p0 $0xF7A, s2;
	p2 =	seq.s32 @!p0 s5, $0x0  }
0x1f: {  	s9 =	smul.u32 $0xF7A, s1;
	s8 =	simm.s32 @!p0 $0x1BF5;
	p2 =	por !p2, p0  }
0x20: {  	[sflag:s8] =	ssyncset.s32 @!p0 $0xFFFFF086;
	s6 =	sadd.s32 @!p0 s3, s7;
	s7 =	simm.s32 @!p0 $0x108  }
0x21: {  	s3 =	sadd.s32 s3, s9;
	s6 =	sadd.s32 @!p0 $0x88, s6;
	s7 =	simm.s32 @p2 $0x1082  }
0x22: {  	[simem:s7], [sflag:s8] =	dma.local @!p0 [hbm:s6], $0xF7A  }
0x23: {  	s9 =	sor.u32 $0xD0000000, s2;
	s6 =	simm.s32 $0x108;
	_ =	swait.ge @!p0 [sflag:s8], $0x0  }
0x24: {  	s3 =	sadd.s32 $0x88, s3;
	s6 =	simm.s32 @!p1 $0x1082;
	[sflag:s4] =	ssyncset.s32 $0xFFFFF086  }
0x25: {  	[simem:s6], [sflag:s4] =	dma.local [hbm:s3], $0xF7A  }
0x26: {  	[smem:$0x3F9B] =	sst s1;
	(tag) =	ssettag s2;
	_ =	strace s9  }
0x27: {  	s1 =	sld [smem:$0x3FAB]  }
0x28: {  	s2 =	sld [smem:$0x3FAC]  }
0x29: {  	s4 =	sld [smem:$0x3FAE]  }
0x2a: {  	p0 =	seq.s32 s5, $0x0;
	s5 =	sld [smem:$0x3FAF]  }
0x2b: {  	s6 =	sld [smem:$0x3FB0]  }
0x2c: {  	s7 =	sld [smem:$0x3FB1]  }
0x2d: {  	s3 =	simm.s32 $0x108;
	s8 =	sld [smem:$0x3FB2]  }
0x2e: {  	s3 =	simm.s32 @!p0 $0x1082;
	s9 =	sld [smem:$0x3FB3]  }
0x2f: {  	lr =	sadd.s32 s0, s3;
	s0 =	sld [smem:$0x3FAA]  }
0x30: {  	s3 =	sld [smem:$0x3FAD]  }
0x31: {  	[smem:$0x3FB6] =	sst s10  }
0x32: {  	s10 =	sld [smem:$0x3FB4];
	_ =	sdelay $0x3  }
0x33: {  	p0 =	seq.s32 s10, $0x1;
	s10 =	sld [smem:$0x3FB6];
	_ =	sdelay $0x3  }
0x34: {  	[smem:$0x3FB6] =	sst s10  }
0x35: {  	s10 =	sld [smem:$0x3FB5];
	_ =	sdelay $0x3  }
0x36: {  	p1 =	seq.s32 s10, $0x1;
	s10 =	sld [smem:$0x3FB6];
	_ =	sdelay $0x3  }
0x37: {  	[smem:$0x3FB6] =	sst s10  }
0x38: {  	s10 =	sld [smem:$0x3FB7]  }
0x39: {  	_ = 	snop;
	(pc) =	sbr.ind lr, $3  }
0x3a: {  	_ = 	snop  }
0x3b: {  	_ = 	snop  }
0x3c: {  	p2 =	seq.s32 s10, $0x1;
	s10 =	sld [smem:$0x3FB6]  }
0x3d: {  	_ =	shalt  }
0x3e: {  	_ =	shalt  }
0x3f: {  	_ =	shalt  }
0x40: {  	_ =	shalt  }
0x41: {  	_ =	shalt  }
0x42: {  	_ =	shalt  }
0x43: {  	_ =	shalt  }
0x44: {  	_ =	shalt  }
0x45: {  	_ =	shalt  }
0x46: {  	_ =	shalt  }
0x47: {  	_ =	shalt  }
0x48: {  	_ =	shalt  }
0x49: {  	_ =	shalt  }
0x4a: {  	_ =	shalt  }
0x4b: {  	_ =	shalt  }
0x4c: {  	_ =	shalt  }
0x4d: {  	_ =	shalt  }
0x4e: {  	_ =	shalt  }
0x4f: {  	_ =	shalt  }
0x50: {  	_ =	shalt  }
0x51: {  	_ =	shalt  }
0x52: {  	_ =	shalt  }
0x53: {  	_ =	shalt  }
0x54: {  	_ =	shalt  }
0x55: {  	_ =	shalt  }
0x56: {  	_ =	shalt  }
0x57: {  	_ =	shalt  }
0x58: {  	_ =	shalt  }
0x59: {  	_ =	shalt  }
0x5a: {  	_ =	shalt  }
0x5b: {  	_ =	shalt  }
0x5c: {  	_ =	shalt  }
0x5d: {  	_ =	shalt  }
0x5e: {  	_ =	shalt  }
0x5f: {  	_ =	shalt  }
0x60: {  	_ =	shalt  }
0x61: {  	_ =	shalt  }
0x62: {  	_ =	shalt  }
0x63: {  	_ =	shalt  }
0x64: {  	_ =	shalt  }
0x65: {  	_ =	shalt  }
0x66: {  	_ =	shalt  }
0x67: {  	_ =	shalt  }
0x68: {  	_ =	shalt  }
0x69: {  	_ =	shalt  }
0x6a: {  	_ =	shalt  }
0x6b: {  	_ =	shalt  }
0x6c: {  	_ =	shalt  }
0x6d: {  	_ =	shalt  }
0x6e: {  	_ =	shalt  }
0x6f: {  	_ =	shalt  }
0x70: {  	_ =	shalt  }
0x71: {  	_ =	shalt  }
0x72: {  	_ =	shalt  }
0x73: {  	_ =	shalt  }
0x74: {  	_ =	shalt  }
0x75: {  	_ =	shalt  }
0x76: {  	_ =	shalt  }
0x77: {  	_ =	shalt  }
0x78: {  	_ =	shalt  }
0x79: {  	_ =	shalt  }
0x7a: {  	_ =	shalt  }
0x7b: {  	_ =	shalt  }
0x7c: {  	_ =	shalt  }
0x7d: {  	_ =	shalt  }
0x7e: {  	_ =	shalt  }
0x7f: {  	_ =	shalt  }
0x80: {  	_ =	shalt  }
0x81: {  	_ =	shalt  }
0x82: {  	_ =	shalt  }
0x83: {  	_ =	shalt  }
0x84: {  	_ =	shalt  }
0x85: {  	_ =	shalt  }
0x86: {  	_ =	shalt  }
0x87: {  	_ =	shalt  }
.Lfunc_end0:
.L_simem_size_0:
called_computation.2_lowered:
.L_overlay_start_0:
0x88: {  	s2 =	sld [smem:$0x3FD9]  }
0x89: {  	s3 =	sld [smem:$0x3FFE];
	_ =	sdelay $0x1  }
0x8a: {  	s1 =	srdreg.scid  }
0x8b: {  	s0 =	sand.u32 $0x1, s1  }
0x8c: {  	s17 =	sshll.u32 s0, $0xA;
	s2 =	sadd.s32 s3, s2  }
0x8d: {  	s2 =	sadd.s32 s2, s17  }
0x8e: {  	[smem:$0x3FC2] =	sst s2  }
0x8f: {  	_ = 	snop  }
0x90: {  	s2 =	sld [smem:$0x3FD0];
	(tm) =	ssettm $0x1  }
0x91: {  	s18 =	sld [smem:$0x3FFB];
	_ =	sdelay $0x3  }
0x92: {  	_ =	strace s18  }
0x93: {  	s3 =	sld [smem:$0x3FFC];
	_ =	sdelay $0x3  }
0x94: {  	_ =	strace s3  }
0x95: {  	s3 =	sld [smem:$0x3FFD];
	_ =	sdelay $0x3  }
0x96: {  	_ =	strace s3  }
0x97: {  	_ =	strace $0x8FFFFFFF  }
0x98: {  	s19 =	sld [smem:$0x3FDB];
	_ =	sdelay $0x1  }
0x99: {  	s4 =	simm.s32 $_scs_section_size  }
0x9a: {  	s5 =	simm.s32 $_size__tile_overlayer_lowered;
	s6 =	simm.s32 $_tile_overlayer_lowered  }
0x9b: {  	s22 =	simm.s32 $0x1BFF;
	s21 =	sshll.u32 s6, $0x1;
	s3 =	sadd.s32 s4, s19  }
0x9c: {  	s7 =	simm.s32 $0x0;
	s20 =	sshll.u32 s5, $0x1;
	s5 =	sadd.s32 s21, s3  }
0x9d: {  	[timem:s7], [sflag:s22] =	dma.local [hbm:s5], s20  }
0x9e: {  	_ =	swait.ge [sflag:s22], s20  }
0x9f: {  	s4 =	ssub.s32 $0x0, s20;
	[sflag:s22] =	ssyncset.done $0x0  }
0xa0: {  	[sflag:s22] =	ssyncadd.s32 s4;
	_ =	sdelay $0x1  }
0xa1: {  	s23 =	simm.s32 $0x1B8B  }
0xa2: {  	_ =	swait.ge [sflag:s23], $0x1  }
0xa3: {  	[sflag:s23] =	ssyncset.done $0x0  }
0xa4: {  	s25 =	simm.s32 $0x1B8E;
	s24 =	sld [smem:$0x3FFE];
	[sflag:s23] =	ssyncadd.s32 $0xFFFFFFFF  }
0xa5: {  	s26 =	simm.s32 $execute0_lowered;
	[smem:$0x3FD2] =	sst s25  }
0xa6: {  	s5 =	sshll.u32 s26, $0x1;
	_ =	strace $0x8000004C;
	[dreg:$0x1] =	wrdreg $0xFFFFFFFF  }
0xa7: {  	s28 =	simm.s32 $_size_execute0_lowered;
	s3 =	sadd.s32 s3, s5;
	[dreg:$0x0] =	wrdreg $0x0  }
0xa8: {  	s5 =	sshll.u32 s28, $0x1;
	[dreg:$0x2] =	wrdreg s3  }
0xa9: {  	[dreg:$0x3] =	wrdreg s5  }
0xaa: {  	[dreg:$0x4] =	wrdreg $0xC0  }
0xab: {  	_ =	task [dreg:s7], $0x5FFFF  }
0xac: {  	[dreg:$0x1] =	wrdreg $0xFFFFFFFF  }
0xad: {  	[dreg:$0x0] =	wrdreg $0x60  }
0xae: {  	[dreg:$0x2] =	wrdreg s24  }
0xaf: {  	[dreg:$0x3] =	wrdreg s2  }
0xb0: {  	[dreg:$0x4] =	wrdreg $0x90000  }
0xb1: {  	[dreg:$0x5] =	wrdreg $0x9  }
0xb2: {  	_ =	task.clear_ibuf [dreg:s7], $0x6FFFF;
	_ =	strace $0x9000004C  }
0xb3: {  	s29 =	simm.s32 $0x9;
	_ =	strace $0x8000004E  }
0xb4: {  	_ =	swait.ge [sflag:s29], $0x1  }
0xb5: {  	[sflag:s29] =	ssyncadd.s32 $0xFFFFFFFF  }
0xb6: {  	_ =	strace $0x9000004E  }
0xb7: {  	_ =	sfence  }
0xb8: {  	s30 =	sld [smem:$0x0];
	_ =	sdelay $0x2  }
0xb9: {  	s31 =	sshll.u32 s1, $0xD;
	s1 =	sshrl.u32 s1, $0x2  }
0xba: {  	s3 =	sand.u32 $0x4000, s31;
	s1 =	sadd.s32 s1, s30  }
0xbb: {  	s0 =	sor.u32 s3, s0;
	s1 =	sshll.u32 s1, $0x11  }
0xbc: {  	s0 =	sor.u32 s1, s0  }
0xbd: {  	s0 =	sadd.s32 $0x8F2B, s0  }
0xbe: {  	[sflag:s0] =	ssyncadd.remote.s32 $0x1  }
0xbf: {  	_ =	sfence.sel $0xFFFF  }
0xc0: {  	[dreg:$0x0] =	wrdreg $0xFFFFFFFF;
	(pc) =	sbr.abs _section_cstart, $3  }
0xc1: {  	[dreg:$0x1] =	wrdreg $0xFFFFFFFF  }
0xc2: {  	_ =	task.clear_ibuf [dreg:s7], $0x2FFFF;
	_ =	strace $0x9FFFFFFF  }
0xc3: {  	(tm) =	ssettm $0x7FFFFFFF  }
tec
execute0_lowered:
.L_overlay_start_1:
0x0: {  	(tag) =	ssettag $0x1  }
0x1: {  	s5 =	rddreg [dreg:$0x0]  }
0x2: {  	s7 =	rddreg [dreg:$0x1]  }
0x3: {  	s0 =	srdreg.scid;
	s2 =	rddreg [dreg:$0x2]  }
0x4: {  	s3 =	simm.s32 $0x0;
	s14 =	simm.s32 $0x80;
	s15 =	simm.s32 $0x5000  }
0x5: {  	s16 =	simm.s32 $0x1;
	s6 =	sand.u32 $0x1, s0;
	s0 =	stileid.u32  }
0x6: {  	s17 =	simm.s32 $0x0;
	[smem:$0x7FF] =	sst s3;
	s9 =	smul.u32 $0x2800, s0  }
0x7: {  	s1 =	sshll.u32 s6, $0x4;
	s10 =	smul.u32 $0x28000, s6;
	s6 =	ssub.s32 $0x2, s6  }
0x8: {  	s12 =	smul.u32 $0x50000, s0;
	s31 =	sshll.u32 s0, $0x6;
	s4 =	sor.u32 s0, s1  }
0x9: {  	s1 =	rddreg [dreg:$0x3];
	_ =	strace $0x8000004D;
	s29 =	sshrl.u32 s6, $0x1  }
0xa: {  	s8 =	smul.u32 $0x500, s4;
	s4 =	sadd.s32 $0xD600, s5;
	s13 =	sadd.s32 s9, s5  }
0xb: {  	s9 =	sadd.s32 s9, s10;
	s10 =	ssub.s32 s6, s29;
	s30 =	sshrl.u32 s12, $0x2  }
0xc: {  	s6 =	sor.u32 $0x1C02, s31;
	s9 =	sadd.s32 s9, s5;
	s12 =	sadd.s32 s30, s2  }
0xd: {  	s10 =	smax.u32 s10, $0x1;
	s11 =	sadd.s32 s8, s5;
	s5 =	sadd.s32 $0x5D600, s13  }
0xe: {  	s7 =	sadd.s32 s7, s8;
	s9 =	sadd.s32 $0x85600, s9;
	s13 =	simm.s32 $0x2800  }
0xf: {  	s8 =	sadd.s32 $0x3600, s11;
	s11 =	sshrl.u32 s12, $0x3;
	s12 =	simm.s32 $0x2  }
.LBB2_1:
0x10: {  	[spmem:s11], [sflag:s6] =	dma.local [hbm:s5], $0x2800  }
0x11: {  	_ =	swait.ge [sflag:s12], $0x2800  }
0x12: {  	[sflag:s12] =	ssyncset.done $0x0  }
0x13: {  	[sflag:s12] =	ssyncadd.s32 $0xFFFFD800  }
0x14: {  	[tilespmem:s3], [sflag:$0x2] =	stream.linear.gather [hbm4b:s7+s3], $0x2800, $0x38;
	[tilespmem:$0x1D000] =	vst v63  }
0x15: {  	_ =	swait.ge [sflag:s12], $0x2800  }
0x16: {  	[sflag:s12] =	ssyncset.done $0x0  }
0x17: {  	[sflag:s12] =	ssyncadd.s32 $0xFFFFD800  }
0x18: {  	[tilespmem:s13], [sflag:$0x2] =	stream.linear.gather [hbm4b:s8+s3], $0x2800, $0x38;
	[tilespmem:$0x1D000] =	vst v63  }
0x19: {  	_ =	swait.ge [sflag:s12], $0x2800  }
0x1a: {  	[sflag:s12] =	ssyncset.done $0x0  }
0x1b: {  	[sflag:s12] =	ssyncadd.s32 $0xFFFFD800  }
0x1c: {  	s18 =	simm.s32 $0x0;
	[bflag:$0x0] =	sbarrier.arrive $0xFFFF  }
0x1d: {  	[tilespmem:s15], [sflag:$0x1] =	stream.indirect.gather [hbm4b:s4+s14], $0x80, s18, s14, $0xb8;
	[tilespmem:$0x1D000] =	vst v63  }
0x1e: {  	_ =	swait.ge [sflag:s16], $0x4000  }
0x1f: {  	[sflag:s16] =	ssyncset.done $0x0  }
0x20: {  	s31 =	simm.s32 $0x2800;
	[sflag:s16] =	ssyncadd.s32 $0xFFFFC000  }
0x21: {  	[spmem:s2] =	stream.indirect.scatter.add.f32 [tilespmem:s15], [sflag:$0x2], $0x80, s31, s14, $0xb8;
	[tilespmem:$0x1D000] =	vst v63  }
0x22: {  	_ =	swait.ge [sflag:s12], $0x4000  }
0x23: {  	s19 =	simm.s32 $0x400;
	s18 =	simm.s32 $0x200;
	[sflag:s12] =	ssyncset.done $0x0  }
.LBB2_2:
0x24: {  	s20 =	sshra.s32 s18, $0x2  }
0x25: {  	[sflag:s12] =	ssyncadd.s32 $0xFFFFC000;
	s18 =	smov.u32 s19;
	s21 =	sadd.s32 $0x200, s19  }
0x26: {  	[tilespmem:s15], [sflag:$0x1] =	stream.indirect.gather [hbm4b:s4+s14], $0x80, s20, s14, $0xb8;
	[tilespmem:$0x1D000] =	vst v63  }
0x27: {  	p0 =	sne.s32 s19, $0x9E00;
	_ =	swait.ge [sflag:s16], $0x4000  }
.Ltmp0:
0x28: {  	[sflag:s16] =	ssyncset.done $0x0;
	(pc) =	sbr.rel @p0 .LBB2_2-.Ltmp0, $4  }
0x29: {  	s19 =	sadd.s32 $0x2800, s20;
	[sflag:s16] =	ssyncadd.s32 $0xFFFFC000  }
0x2a: {  	[spmem:s2] =	stream.indirect.scatter.add.f32 [tilespmem:s15], [sflag:$0x2], $0x80, s19, s14, $0xb8;
	[tilespmem:$0x1D000] =	vst v63  }
0x2b: {  	_ =	swait.ge [sflag:s12], $0x4000  }
0x2c: {  	s19 =	smov.u32 s21;
	[sflag:s12] =	ssyncset.done $0x0  }
0x2d: {  	s18 =	sshra.s32 s18, $0x2;
	[sflag:s12] =	ssyncadd.s32 $0xFFFFC000  }
0x2e: {  	[tilespmem:s15], [sflag:$0x1] =	stream.indirect.gather [hbm4b:s4+s14], $0x80, s18, s14, $0xb8;
	[tilespmem:$0x1D000] =	vst v63  }
0x2f: {  	_ =	swait.ge [sflag:s16], $0x4000  }
0x30: {  	[sflag:s16] =	ssyncset.done $0x0  }
0x31: {  	s18 =	sadd.s32 $0x2800, s18;
	[sflag:s16] =	ssyncadd.s32 $0xFFFFC000  }
0x32: {  	[spmem:s2] =	stream.indirect.scatter.add.f32 [tilespmem:s15], [sflag:$0x2], $0x80, s18, s14, $0xb8;
	[tilespmem:$0x1D000] =	vst v63  }
0x33: {  	_ =	swait.ge [sflag:s12], $0x4000  }
0x34: {  	s17 =	sadd.s32 $0x1, s17;
	[sflag:s12] =	ssyncset.done $0x0  }
0x35: {  	p0 =	sne.s32 s17, s10;
	[sflag:s12] =	ssyncadd.s32 $0xFFFFC000  }
.Ltmp1:
0x36: {  	[bflag:$0x0] =	sbarrier.arrive $0xFFFF;
	(pc) =	sbr.rel @p0 .LBB2_1-.Ltmp1, $4  }
0x37: {  	[hbm:s9], [sflag:s6] =	dma.local [spmem:s11], $0x2800  }
0x38: {  	_ =	swait.ge [sflag:s12], $0x2800  }
0x39: {  	[sflag:s12] =	ssyncset.done $0x0  }
0x3a: {  	[sflag:s12] =	ssyncadd.s32 $0xFFFFD800  }
0x3b: {  	_ =	sfence.sel $0x180000  }
0x3c: {  	[bflag:$0x0] =	sbarrier.arrive $0xFFFF  }
0x3d: {  	p0 =	sne.s32 s0, $0x0;
	_ =	strace $0x9000004D  }
0x3e: {  	s0 =	sadd.s32 @!p0 $0x100000, s1;
	[bflag:$0x2] =	sbarrier.arrive $0xFFFF  }
0x3f: {  	[sflag:s0] =	ssyncadd.tile.s32 @!p0 $0x1;
	_ =	shalt  }
.Lfunc_end2:
_tile_overlayer_lowered:
.L_overlay_start_2:
0x40: {  	(tag) =	ssettag $0x2  }
0x41: {  	s0 =	rddreg [dreg:$0x0];
	s2 =	stileid.u32  }
0x42: {  	s1 =	rddreg [dreg:$0x1];
	p0 =	sne.s32 s2, $0x0  }
0x43: {  	s3 =	rddreg [dreg:$0x2];
	[bflag:$0x3] =	sbarrier.arrive $0xFFFF;
	s2 =	simm.s32 @!p0 $0x1C02  }
0x44: {  	[timem:s3], [sflag:s2] =	dma.local @!p0 [hbm:s0], s1  }
0x45: {  	s0 =	simm.s32 @!p0 $0x2  }
0x46: {  	_ =	swait.ge @!p0 [sflag:s0], s1  }
0x47: {  	s1 =	ssub.s32 @!p0 $0x0, s1;
	[sflag:s0] =	ssyncset.done @!p0 $0x0  }
0x48: {  	[sflag:s0] =	ssyncadd.s32 @!p0 s1  }
0x49: {  	[bflag:$0x3] =	sbarrier.arrive $0xFFFF  }
0x4a: {  	_ =	shalt  }

// kernel: kernel.8.cloned.1.call-start
scs
__scs_entry_jumppad:
0x0: {  	(pc) =	sbr.rel $0x88, $3  }
0x1: {  	(tag) =	ssettag $0x0;
	lr =	simm.s32 $0x1  }
0x2: {  	[smem:$0x3F9B] =	sst lr;
	_ =	strace $0xD0000000  }
0x3: {  	_ = 	snop  }
0x4: {  	_ = 	snop  }
0x5: {  	_ = 	snop  }
0x6: {  	_ = 	snop  }
0x7: {  	_ = 	snop  }
__scs_overlays_trampoline_lowered:
0x8: {  	[smem:$0x3FAA] =	sst s0  }
0x9: {  	[smem:$0x3FAB] =	sst s1  }
0xa: {  	[smem:$0x3FAC] =	sst s2  }
0xb: {  	[smem:$0x3FAD] =	sst s3  }
0xc: {  	[smem:$0x3FAE] =	sst s4  }
0xd: {  	[smem:$0x3FAF] =	sst s5  }
0xe: {  	[smem:$0x3FB0] =	sst s6  }
0xf: {  	[smem:$0x3FB1] =	sst s7  }
0x10: {  	[smem:$0x3FB2] =	sst s8  }
0x11: {  	[smem:$0x3FB3] =	sst s9;
	s0 =	simm.s32 @!p0 $0x0  }
0x12: {  	s1 =	sld [smem:$0x3F99];
	s0 =	simm.s32 @p0 $0x1  }
0x13: {  	[smem:$0x3FB4] =	sst s0;
	s0 =	simm.s32 @!p1 $0x0  }
0x14: {  	s2 =	sld [smem:$0x3F98];
	s0 =	simm.s32 @p1 $0x1  }
0x15: {  	[smem:$0x3FB5] =	sst s0;
	s0 =	simm.s32 @!p2 $0x0  }
0x16: {  	s3 =	sld [smem:$0x3FDB];
	s0 =	simm.s32 @p2 $0x1  }
0x17: {  	s4 =	simm.s32 $0x1BF5;
	[smem:$0x3FB7] =	sst s0  }
0x18: {  	s0 =	sld [smem:$0x3F9A];
	_ =	swait.ge [sflag:s4], $0x0  }
0x19: {  	s7 =	sld [smem:$0x3F9B]  }
0x1a: {  	s8 =	sadd.s32 $0xFFFFE003, lr  }
0x1b: {  	s9 =	sadd.s32 $0xFFFFFEF7, lr;
	s5 =	simm.s32 $0xFFFFFFFF;
	p2 =	slt.u32 s8, $0xFFFFF086  }
0x1c: {  	p1 =	slt.u32 s9, $0xF7A;
	s5 =	simm.s32 @!p2 $0x0  }
0x1d: {  	s5 =	simm.s32 @p1 $0x1;
	p0 =	seq.s32 s7, s2  }
0x1e: {  	s7 =	smul.u32 @!p0 $0xF7A, s2;
	p2 =	seq.s32 @!p0 s5, $0x0  }
0x1f: {  	s9 =	smul.u32 $0xF7A, s1;
	s8 =	simm.s32 @!p0 $0x1BF5;
	p2 =	por !p2, p0  }
0x20: {  	[sflag:s8] =	ssyncset.s32 @!p0 $0xFFFFF086;
	s6 =	sadd.s32 @!p0 s3, s7;
	s7 =	simm.s32 @!p0 $0x108  }
0x21: {  	s3 =	sadd.s32 s3, s9;
	s6 =	sadd.s32 @!p0 $0x88, s6;
	s7 =	simm.s32 @p2 $0x1082  }
0x22: {  	[simem:s7], [sflag:s8] =	dma.local @!p0 [hbm:s6], $0xF7A  }
0x23: {  	s9 =	sor.u32 $0xD0000000, s2;
	s6 =	simm.s32 $0x108;
	_ =	swait.ge @!p0 [sflag:s8], $0x0  }
0x24: {  	s3 =	sadd.s32 $0x88, s3;
	s6 =	simm.s32 @!p1 $0x1082;
	[sflag:s4] =	ssyncset.s32 $0xFFFFF086  }
0x25: {  	[simem:s6], [sflag:s4] =	dma.local [hbm:s3], $0xF7A  }
0x26: {  	[smem:$0x3F9B] =	sst s1;
	(tag) =	ssettag s2;
	_ =	strace s9  }
0x27: {  	s1 =	sld [smem:$0x3FAB]  }
0x28: {  	s2 =	sld [smem:$0x3FAC]  }
0x29: {  	s4 =	sld [smem:$0x3FAE]  }
0x2a: {  	p0 =	seq.s32 s5, $0x0;
	s5 =	sld [smem:$0x3FAF]  }
0x2b: {  	s6 =	sld [smem:$0x3FB0]  }
0x2c: {  	s7 =	sld [smem:$0x3FB1]  }
0x2d: {  	s3 =	simm.s32 $0x108;
	s8 =	sld [smem:$0x3FB2]  }
0x2e: {  	s3 =	simm.s32 @!p0 $0x1082;
	s9 =	sld [smem:$0x3FB3]  }
0x2f: {  	lr =	sadd.s32 s0, s3;
	s0 =	sld [smem:$0x3FAA]  }
0x30: {  	s3 =	sld [smem:$0x3FAD]  }
0x31: {  	[smem:$0x3FB6] =	sst s10  }
0x32: {  	s10 =	sld [smem:$0x3FB4];
	_ =	sdelay $0x3  }
0x33: {  	p0 =	seq.s32 s10, $0x1;
	s10 =	sld [smem:$0x3FB6];
	_ =	sdelay $0x3  }
0x34: {  	[smem:$0x3FB6] =	sst s10  }
0x35: {  	s10 =	sld [smem:$0x3FB5];
	_ =	sdelay $0x3  }
0x36: {  	p1 =	seq.s32 s10, $0x1;
	s10 =	sld [smem:$0x3FB6];
	_ =	sdelay $0x3  }
0x37: {  	[smem:$0x3FB6] =	sst s10  }
0x38: {  	s10 =	sld [smem:$0x3FB7]  }
0x39: {  	_ = 	snop;
	(pc) =	sbr.ind lr, $3  }
0x3a: {  	_ = 	snop  }
0x3b: {  	_ = 	snop  }
0x3c: {  	p2 =	seq.s32 s10, $0x1;
	s10 =	sld [smem:$0x3FB6]  }
0x3d: {  	_ =	shalt  }
0x3e: {  	_ =	shalt  }
0x3f: {  	_ =	shalt  }
0x40: {  	_ =	shalt  }
0x41: {  	_ =	shalt  }
0x42: {  	_ =	shalt  }
0x43: {  	_ =	shalt  }
0x44: {  	_ =	shalt  }
0x45: {  	_ =	shalt  }
0x46: {  	_ =	shalt  }
0x47: {  	_ =	shalt  }
0x48: {  	_ =	shalt  }
0x49: {  	_ =	shalt  }
0x4a: {  	_ =	shalt  }
0x4b: {  	_ =	shalt  }
0x4c: {  	_ =	shalt  }
0x4d: {  	_ =	shalt  }
0x4e: {  	_ =	shalt  }
0x4f: {  	_ =	shalt  }
0x50: {  	_ =	shalt  }
0x51: {  	_ =	shalt  }
0x52: {  	_ =	shalt  }
0x53: {  	_ =	shalt  }
0x54: {  	_ =	shalt  }
0x55: {  	_ =	shalt  }
0x56: {  	_ =	shalt  }
0x57: {  	_ =	shalt  }
0x58: {  	_ =	shalt  }
0x59: {  	_ =	shalt  }
0x5a: {  	_ =	shalt  }
0x5b: {  	_ =	shalt  }
0x5c: {  	_ =	shalt  }
0x5d: {  	_ =	shalt  }
0x5e: {  	_ =	shalt  }
0x5f: {  	_ =	shalt  }
0x60: {  	_ =	shalt  }
0x61: {  	_ =	shalt  }
0x62: {  	_ =	shalt  }
0x63: {  	_ =	shalt  }
0x64: {  	_ =	shalt  }
0x65: {  	_ =	shalt  }
0x66: {  	_ =	shalt  }
0x67: {  	_ =	shalt  }
0x68: {  	_ =	shalt  }
0x69: {  	_ =	shalt  }
0x6a: {  	_ =	shalt  }
0x6b: {  	_ =	shalt  }
0x6c: {  	_ =	shalt  }
0x6d: {  	_ =	shalt  }
0x6e: {  	_ =	shalt  }
0x6f: {  	_ =	shalt  }
0x70: {  	_ =	shalt  }
0x71: {  	_ =	shalt  }
0x72: {  	_ =	shalt  }
0x73: {  	_ =	shalt  }
0x74: {  	_ =	shalt  }
0x75: {  	_ =	shalt  }
0x76: {  	_ =	shalt  }
0x77: {  	_ =	shalt  }
0x78: {  	_ =	shalt  }
0x79: {  	_ =	shalt  }
0x7a: {  	_ =	shalt  }
0x7b: {  	_ =	shalt  }
0x7c: {  	_ =	shalt  }
0x7d: {  	_ =	shalt  }
0x7e: {  	_ =	shalt  }
0x7f: {  	_ =	shalt  }
0x80: {  	_ =	shalt  }
0x81: {  	_ =	shalt  }
0x82: {  	_ =	shalt  }
0x83: {  	_ =	shalt  }
0x84: {  	_ =	shalt  }
0x85: {  	_ =	shalt  }
0x86: {  	_ =	shalt  }
0x87: {  	_ =	shalt  }
.Lfunc_end0:
.L_simem_size_0:
called_computation_lowered:
.L_overlay_start_0:
0x88: {  	s2 =	sld [smem:$0x3FD9]  }
0x89: {  	s3 =	sld [smem:$0x3FFE];
	_ =	sdelay $0x1  }
0x8a: {  	s1 =	srdreg.scid  }
0x8b: {  	s0 =	sand.u32 $0x1, s1  }
0x8c: {  	s16 =	sshll.u32 s0, $0xA;
	s2 =	sadd.s32 s3, s2  }
0x8d: {  	s2 =	sadd.s32 s2, s16  }
0x8e: {  	[smem:$0x3FC2] =	sst s2  }
0x8f: {  	_ = 	snop  }
0x90: {  	(tm) =	ssettm $0x1  }
0x91: {  	s17 =	sld [smem:$0x3FFB];
	_ =	sdelay $0x3  }
0x92: {  	_ =	strace s17  }
0x93: {  	s2 =	sld [smem:$0x3FFC];
	_ =	sdelay $0x3  }
0x94: {  	_ =	strace s2  }
0x95: {  	s2 =	sld [smem:$0x3FFD];
	_ =	sdelay $0x3  }
0x96: {  	_ =	strace s2  }
0x97: {  	_ =	strace $0x8FFFFFFF  }
0x98: {  	s18 =	sld [smem:$0x3FDB];
	_ =	sdelay $0x1  }
0x99: {  	s19 =	simm.s32 $_scs_section_size  }
0x9a: {  	s4 =	simm.s32 $_size__tile_overlayer_lowered;
	s5 =	simm.s32 $_tile_overlayer_lowered  }
0x9b: {  	s22 =	simm.s32 $0x1BFF;
	s21 =	sshll.u32 s5, $0x1;
	s2 =	sadd.s32 s19, s18  }
0x9c: {  	s6 =	simm.s32 $0x0;
	s20 =	sshll.u32 s4, $0x1;
	s4 =	sadd.s32 s21, s2  }
0x9d: {  	[timem:s6], [sflag:s22] =	dma.local [hbm:s4], s20  }
0x9e: {  	_ =	swait.ge [sflag:s22], s20  }
0x9f: {  	s3 =	ssub.s32 $0x0, s20;
	[sflag:s22] =	ssyncset.done $0x0  }
0xa0: {  	[sflag:s22] =	ssyncadd.s32 s3;
	_ =	sdelay $0x1  }
0xa1: {  	s23 =	simm.s32 $0x1B8B  }
0xa2: {  	_ =	swait.ge [sflag:s23], $0x1  }
0xa3: {  	[sflag:s23] =	ssyncset.done $0x0  }
0xa4: {  	s25 =	simm.s32 $0x1B8E;
	s24 =	sld [smem:$0x3FFE];
	[sflag:s23] =	ssyncadd.s32 $0xFFFFFFFF  }
0xa5: {  	s26 =	simm.s32 $execute0_lowered;
	[smem:$0x3FD2] =	sst s25  }
0xa6: {  	s4 =	sshll.u32 s26, $0x1;
	_ =	strace $0x80000046;
	[dreg:$0x1] =	wrdreg $0xFFFFFFFF  }
0xa7: {  	s28 =	simm.s32 $_size_execute0_lowered;
	s2 =	sadd.s32 s2, s4;
	[dreg:$0x0] =	wrdreg $0x0  }
0xa8: {  	s4 =	sshll.u32 s28, $0x1;
	[dreg:$0x2] =	wrdreg s2  }
0xa9: {  	[dreg:$0x3] =	wrdreg s4  }
0xaa: {  	[dreg:$0x4] =	wrdreg $0xC0  }
0xab: {  	_ =	task [dreg:s6], $0x5FFFF  }
0xac: {  	[dreg:$0x1] =	wrdreg $0xFFFFFFFF  }
0xad: {  	[dreg:$0x0] =	wrdreg $0x60  }
0xae: {  	[dreg:$0x2] =	wrdreg s24  }
0xaf: {  	[dreg:$0x3] =	wrdreg $0x2B000  }
0xb0: {  	[dreg:$0x4] =	wrdreg $0x9  }
0xb1: {  	_ =	task.clear_ibuf [dreg:s6], $0x5FFFF;
	_ =	strace $0x90000046  }
0xb2: {  	s29 =	simm.s32 $0x9;
	_ =	strace $0x80000048  }
0xb3: {  	_ =	swait.ge [sflag:s29], $0x1  }
0xb4: {  	[sflag:s29] =	ssyncadd.s32 $0xFFFFFFFF  }
0xb5: {  	_ =	strace $0x90000048  }
0xb6: {  	_ =	sfence  }
0xb7: {  	s30 =	sld [smem:$0x0];
	_ =	sdelay $0x2  }
0xb8: {  	s31 =	sshll.u32 s1, $0xD;
	s1 =	sshrl.u32 s1, $0x2  }
0xb9: {  	s3 =	sand.u32 $0x4000, s31;
	s1 =	sadd.s32 s1, s30  }
0xba: {  	s0 =	sor.u32 s3, s0;
	s1 =	sshll.u32 s1, $0x11  }
0xbb: {  	s0 =	sor.u32 s1, s0  }
0xbc: {  	s0 =	sadd.s32 $0x8F2B, s0  }
0xbd: {  	[sflag:s0] =	ssyncadd.remote.s32 $0x1  }
0xbe: {  	_ =	sfence.sel $0xFFFF  }
0xbf: {  	[dreg:$0x0] =	wrdreg $0xFFFFFFFF;
	(pc) =	sbr.abs _section_cstart, $3  }
0xc0: {  	[dreg:$0x1] =	wrdreg $0xFFFFFFFF  }
0xc1: {  	_ =	task.clear_ibuf [dreg:s6], $0x2FFFF;
	_ =	strace $0x9FFFFFFF  }
0xc2: {  	(tm) =	ssettm $0x7FFFFFFF  }
0xc3: {  	_ =	shalt  }
tec
execute0_lowered:
.L_overlay_start_1:
0x0: {  	(tag) =	ssettag $0x1  }
0x1: {  	s4 =	rddreg [dreg:$0x0]  }
0x2: {  	s2 =	rddreg [dreg:$0x1];
	s3 =	srdreg.scid  }
0x3: {  	s1 =	stileid.u32;
	s0 =	rddreg [dreg:$0x2];
	s10 =	simm.s32 $0x80  }
0x4: {  	s11 =	simm.s32 $0x2800;
	s14 =	simm.s32 $0x0;
	s5 =	sand.u32 $0x1, s3  }
0x5: {  	s6 =	smul.u32 $0x280, s1;
	s3 =	simm.s32 $0x0;
	s12 =	sshll.u32 s1, $0x6  }
0x6: {  	s7 =	sshll.u32 s5, $0x4;
	s8 =	smul.u32 $0x2800, s5;
	[smem:$0x7FF] =	sst s3  }
0x7: {  	s5 =	ssub.s32 $0x2, s5;
	s12 =	sor.u32 $0x1C01, s12;
	s7 =	sor.u32 s1, s7  }
0x8: {  	s9 =	sshrl.u32 s5, $0x1;
	s7 =	smul.u32 $0x500, s7;
	s8 =	sadd.s32 s6, s8  }
0x9: {  	_ =	strace $0x80000047;
	s9 =	ssub.s32 s5, s9;
	s8 =	sshrl.u32 s8, $0x3  }
0xa: {  	s7 =	sadd.s32 s7, s4;
	s8 =	sadd.s32 s8, s4;
	s4 =	sadd.s32 s6, s2  }
0xb: {  	s5 =	sadd.s32 $0x3600, s7;
	s6 =	sadd.s32 $0xD600, s8;
	s7 =	smax.u32 s9, $0x1  }
0xc: {  	v0 =	vimm.f32 $1.000000000e+00;
	v1 =	vimm.f32 $0.0e+00;
	s8 =	simm.s32 $0x2880;
	s9 =	simm.s32 $0x1;
	s13 =	sshrl.u32 s4, $0x3  }
.LBB2_1:
0xd: {  	[tilespmem:$0x2800] =	vst v0  }
0xe: {  	[tilespmem:$0x2810] =	vst v0  }
0xf: {  	[tilespmem:$0x2820] =	vst v0  }
0x10: {  	[tilespmem:$0x2830] =	vst v0  }
0x11: {  	[tilespmem:$0x2840] =	vst v0  }
0x12: {  	[tilespmem:$0x2850] =	vst v0  }
0x13: {  	[tilespmem:$0x2860] =	vst v0  }
0x14: {  	[tilespmem:$0x2870] =	vst v0  }
0x15: {  	[tilespmem:$0x2880] =	vst v1  }
0x16: {  	[tilespmem:$0x2890] =	vst v1  }
0x17: {  	[tilespmem:$0x28A0] =	vst v1  }
0x18: {  	[tilespmem:$0x28B0] =	vst v1  }
0x19: {  	[tilespmem:$0x28C0] =	vst v1  }
0x1a: {  	[tilespmem:$0x28D0] =	vst v1  }
0x1b: {  	[tilespmem:$0x28E0] =	vst v1  }
0x1c: {  	[tilespmem:$0x28F0] =	vst v1  }
0x1d: {  	[tilespmem:$0x2900] =	vst v1  }
0x1e: {  	[tilespmem:$0x2910] =	vst v1  }
0x1f: {  	[tilespmem:$0x2920] =	vst v1  }
0x20: {  	[tilespmem:$0x2930] =	vst v1  }
0x21: {  	[tilespmem:$0x2940] =	vst v1  }
0x22: {  	[tilespmem:$0x2950] =	vst v1  }
0x23: {  	[tilespmem:$0x2960] =	vst v1  }
0x24: {  	[tilespmem:$0x2970] =	vst v1  }
0x25: {  	[tilespmem:$0x2980] =	vst v1  }
0x26: {  	[tilespmem:$0x2990] =	vst v1  }
0x27: {  	[tilespmem:$0x29A0] =	vst v1  }
0x28: {  	[tilespmem:$0x29B0] =	vst v1  }
0x29: {  	[tilespmem:$0x29C0] =	vst v1  }
0x2a: {  	[tilespmem:$0x29D0] =	vst v1  }
0x2b: {  	[tilespmem:$0x29E0] =	vst v1  }
0x2c: {  	[tilespmem:$0x29F0] =	vst v1  }
0x2d: {  	[tilespmem:$0x2A00] =	vst v1  }
0x2e: {  	[tilespmem:$0x2A10] =	vst v1  }
0x2f: {  	[tilespmem:$0x2A20] =	vst v1  }
0x30: {  	[tilespmem:$0x2A30] =	vst v1  }
0x31: {  	[tilespmem:$0x2A40] =	vst v1  }
0x32: {  	[tilespmem:$0x2A50] =	vst v1  }
0x33: {  	[tilespmem:$0x2A60] =	vst v1  }
0x34: {  	[tilespmem:$0x2A70] =	vst v1  }
0x35: {  	[tilespmem:$0x2A80] =	vst v1  }
0x36: {  	[tilespmem:$0x2A90] =	vst v1  }
0x37: {  	[tilespmem:$0x2AA0] =	vst v1  }
0x38: {  	[tilespmem:$0x2AB0] =	vst v1  }
0x39: {  	[tilespmem:$0x2AC0] =	vst v1  }
0x3a: {  	[tilespmem:$0x2AD0] =	vst v1  }
0x3b: {  	[tilespmem:$0x2AE0] =	vst v1  }
0x3c: {  	[tilespmem:$0x2AF0] =	vst v1  }
0x3d: {  	[spmem:s4] =	stream.linear.scatter [tilespmem:s8], [sflag:$0x1], $0x280, $0x38;
	[tilespmem:$0x2D80] =	vst v63  }
0x3e: {  	_ =	swait.ge [sflag:s9], $0x280  }
0x3f: {  	[sflag:s9] =	ssyncset.done $0x0  }
0x40: {  	[sflag:s9] =	ssyncadd.s32 $0xFFFFFD80  }
0x41: {  	[tilespmem:s3], [sflag:$0x1] =	stream.linear.gather [hbm4b:s5+s3], $0x2800, $0x38;
	[tilespmem:$0x2D80] =	vst v63  }
0x42: {  	_ =	swait.ge [sflag:s9], $0x2800  }
0x43: {  	[sflag:s9] =	ssyncset.done $0x0  }
0x44: {  	[sflag:s9] =	ssyncadd.s32 $0xFFFFD800  }
0x45: {  	s15 =	simm.s32 $0x0;
	[bflag:$0x0] =	sbarrier.arrive $0xFFFF  }
0x46: {  	[spmem:s2] =	stream.indirect.scatter.add.f32 [tilespmem:s11], [sflag:$0x1], $0x1, s15, s10, $0xb8;
	[tilespmem:$0x2D80] =	vst v63  }
0x47: {  	_ =	swait.ge [sflag:s9], $0x80  }
0x48: {  	s15 =	simm.s32 $0x200;
	[sflag:s9] =	ssyncset.done $0x0  }
.LBB2_2:
0x49: {  	s16 =	sshra.s32 s15, $0x2;
	[sflag:s9] =	ssyncadd.s32 $0xFFFFFF80;
	p0 =	sne.s32 s15, $0x9E00  }
0x4a: {  	[spmem:s2] =	stream.indirect.scatter.add.f32 [tilespmem:s11], [sflag:$0x1], $0x1, s16, s10, $0xb8;
	[tilespmem:$0x2D80] =	vst v63  }
.Ltmp0:
0x4b: {  	_ = 	snop;
	(pc) =	sbr.rel @p0 .LBB2_2-.Ltmp0, $4  }
0x4c: {  	_ = 	snop  }
0x4d: {  	s15 =	sadd.s32 $0x200, s15  }
0x4e: {  	_ =	swait.ge [sflag:s9], $0x80  }
0x4f: {  	[sflag:s9] =	ssyncset.done $0x0  }
0x50: {  	s14 =	sadd.s32 $0x1, s14  }
0x51: {  	[sflag:s9] =	ssyncadd.s32 $0xFFFFFF80;
	p0 =	sne.s32 s14, s7  }
.Ltmp1:
0x52: {  	[bflag:$0x0] =	sbarrier.arrive $0xFFFF;
	(pc) =	sbr.rel @p0 .LBB2_1-.Ltmp1, $4  }
0x53: {  	[hbm:s6], [sflag:s12] =	dma.local [spmem:s13], $0x50  }
0x54: {  	_ =	swait.ge [sflag:s9], $0x50  }
0x55: {  	[sflag:s9] =	ssyncset.done $0x0  }
0x56: {  	[sflag:s9] =	ssyncadd.s32 $0xFFFFFFB0  }
0x57: {  	_ =	sfence.sel $0x180000  }
0x58: {  	[bflag:$0x0] =	sbarrier.arrive $0xFFFF  }
0x59: {  	p0 =	sne.s32 s1, $0x0;
	_ =	strace $0x90000047  }
0x5a: {  	s0 =	sadd.s32 @!p0 $0x100000, s0;
	[bflag:$0x2] =	sbarrier.arrive $0xFFFF  }
0x5b: {  	[sflag:s0] =	ssyncadd.tile.s32 @!p0 $0x1;
	_ =	shalt  }
.Lfunc_end2:
_tile_overlayer_lowered:
.L_overlay_start_2:
0x5c: {  	(tag) =	ssettag $0x2  }
0x5d: {  	s0 =	rddreg [dreg:$0x0];
	s2 =	stileid.u32  }
0x5e: {  	s1 =	rddreg [dreg:$0x1];
	p0 =	sne.s32 s2, $0x0  }
0x5f: {  	s3 =	rddreg [dreg:$0x2];
	[bflag:$0x3] =	sbarrier.arrive $0xFFFF;
	s2 =	simm.s32 @!p0 $0x1C01  }
0x60: {  	[timem:s3], [sflag:s2] =	dma.local @!p0 [hbm:s0], s1  }
0x61: {  	s0 =	simm.s32 @!p0 $0x1  }
0x62: {  	_ =	swait.ge @!p0 [sflag:s0], s1  }
0x63: {  	s1 =	ssub.s32 @!p0 $0x0, s1;
	[sflag:s0] =	ssyncset.done @!p0 $0x0  }
0x64: {  	[sflag:s0] =	ssyncadd.s32 @!p0 s1  }
0x65: {  	[bflag:$0x3] =	sbarrier.arrive $0xFFFF  }
0x66: {  	_ =	shalt  }

</sc_bundles>
